<compile_context>
chip_gen: v7x
topology: tpu7x:2x2x1
jax: 0.10.2.dev20260603
libtpu: 0.0.44.dev20260713+nightly
codegen_flags: <defaults>
</compile_context>

<pallas_src>
import dataclasses
import functools

import jax
import jax.numpy as jnp
from jax import lax
from jax.experimental import pallas as pl
from jax.experimental.pallas import tpu as pltpu
from jax.experimental.pallas import tpu_sc as plsc

NC = 2
NS = 16
NW = NC * NS
LANES = 16


def _vector_mesh():
    return plsc.VectorSubcoreMesh(
        core_axis_name="c", subcore_axis_name="s", num_cores=NC, num_subcores=NS
    )


def _sc_compiler_params():
    cp = pltpu.CompilerParams()
    if "needs_layout_passes" in pltpu.CompilerParams.__dataclass_fields__:
        cp = dataclasses.replace(cp, needs_layout_passes=False)
    return cp


def _scalar_agg(table, src_w, dst_w, n_nodes):
    nw, epw = src_w.shape
    nt = table.shape[0]

    @functools.partial(
        pl.kernel,
        out_type=jax.ShapeDtypeStruct((nw, n_nodes), jnp.float32),
        mesh=_vector_mesh(),
        scratch_types=[
            pltpu.VMEM((nt,), jnp.float32),
            pltpu.VMEM((epw,), jnp.int32),
            pltpu.VMEM((epw,), jnp.int32),
            pltpu.VMEM((n_nodes,), jnp.float32),
        ],
        compiler_params=_sc_compiler_params(),
    )
    def k(t_hbm, s_hbm, d_hbm, out_hbm, t_v, s_v, d_v, acc_v):
        c = lax.axis_index("c")
        s = lax.axis_index("s")
        w = s * NC + c
        pltpu.sync_copy(t_hbm, t_v)
        pltpu.sync_copy(s_hbm.at[w], s_v)
        pltpu.sync_copy(d_hbm.at[w], d_v)

        @pl.loop(0, n_nodes, step=LANES)
        def _(i):
            acc_v[pl.ds(i, LANES)] = jnp.zeros((LANES,), jnp.float32)

        @pl.loop(0, epw, step=LANES)
        def _(i):
            si = s_v[pl.ds(i, LANES)]
            di = d_v[pl.ds(i, LANES)]
            vals = plsc.load_gather(t_v, [si])
            plsc.addupdate_scatter(acc_v, [di], vals)

        pltpu.sync_copy(acc_v, out_hbm.at[w])

    return k(table, src_w, dst_w)


def _row_agg(g, src_p, dst_p, zeros_tile, n_pad):
    n, d = g.shape
    nw, n_chunks, kk = src_p.shape
    rpt = n_pad // NS

    @functools.partial(
        pl.kernel,
        out_type=jax.ShapeDtypeStruct((NC, n_pad, d), jnp.float32),
        mesh=_vector_mesh(),
        scratch_types=[
            pltpu.VMEM((n_chunks // 2, kk), jnp.int32),
            pltpu.VMEM((n_chunks // 2, kk), jnp.int32),
            pltpu.VMEM((kk, d), jnp.float32),
            pltpu.VMEM((kk, d), jnp.float32),
            pltpu.VMEM_SHARED((n_pad, d), jnp.float32),
            pltpu.SemaphoreType.DMA,
            pltpu.SemaphoreType.DMA,
        ],
        compiler_params=_sc_compiler_params(),
    )
    def k(g_hbm, si_hbm, di_hbm, z_hbm, out_hbm, si_v, di_v, ra, rb, acc_sh,
          sa, sb):
        half = n_chunks // 2
        c = lax.axis_index("c")
        s = lax.axis_index("s")
        w = s * NC + c
        pltpu.sync_copy(z_hbm, ra)
        base = s * rpt
        off = 0
        while off < rpt:
            sz = min(kk, rpt - off)
            pltpu.sync_copy(ra.at[pl.ds(0, sz)], acc_sh.at[pl.ds(base + off, sz)])
            off += sz
        plsc.subcore_barrier()

        def issue(j, buf, sem):
            pltpu.async_copy(g_hbm.at[si_v.at[j]], buf, sem)

        def wait(buf, sem):
            pltpu.make_async_copy(g_hbm.at[pl.ds(0, kk)], buf, sem).wait()

        def phase(p):
            pltpu.sync_copy(si_hbm.at[w, pl.ds(p * half, half)], si_v)
            pltpu.sync_copy(di_hbm.at[w, pl.ds(p * half, half)], di_v)
            issue(0, ra, sa)
            issue(1, rb, sb)

            @pl.loop(0, half, step=2)
            def _(j):
                wait(ra, sa)
                pltpu.sync_copy(ra, acc_sh.at[di_v.at[j]], add=True)

                @pl.when(j + 2 < half)
                def _():
                    issue(j + 2, ra, sa)

                wait(rb, sb)
                pltpu.sync_copy(rb, acc_sh.at[di_v.at[j + 1]], add=True)

                @pl.when(j + 3 < half)
                def _():
                    issue(j + 3, rb, sb)

        phase(0)
        phase(1)

        plsc.subcore_barrier()
        pltpu.sync_copy(
            acc_sh.at[pl.ds(s * rpt, rpt)],
            out_hbm.at[c, pl.ds(s * rpt, rpt)],
        )

    return k(g, src_p, dst_p, zeros_tile)


def _tc_prep(deg_part, x, w1):
    n, din = x.shape
    dh = w1.shape[1]
    r = 1024
    grid = -(-n // r)

    def body(dp_ref, x_ref, w_ref, g_ref, dis_ref):
        deg = jnp.sum(dp_ref[...], axis=0, keepdims=True) + 1.0
        dis = lax.rsqrt(deg)
        dis_ref[...] = dis
        h = jnp.dot(x_ref[...], w_ref[...], preferred_element_type=jnp.float32)
        g_ref[...] = h * jnp.transpose(dis)

    return pl.pallas_call(
        body,
        grid=(grid,),
        in_specs=[
            pl.BlockSpec((deg_part.shape[0], r), lambda i: (0, i)),
            pl.BlockSpec((r, din), lambda i: (i, 0)),
            pl.BlockSpec((din, dh), lambda i: (0, 0)),
        ],
        out_specs=[
            pl.BlockSpec((r, dh), lambda i: (i, 0)),
            pl.BlockSpec((1, r), lambda i: (0, i)),
        ],
        out_shape=[
            jax.ShapeDtypeStruct((n, dh), jnp.float32),
            jax.ShapeDtypeStruct((1, n), jnp.float32),
        ],
    )(deg_part, x, w1)


def _tc_layer2(acc, g, dis, b1_row, w2_row):
    n, dh = g.shape
    r = 1024
    grid = -(-n // r)

    def body(acc_ref, g_ref, dis_ref, b1_ref, w2_ref, g2_ref):
        ssum = acc_ref[0] + acc_ref[1] + g_ref[...]
        dis_c = jnp.transpose(dis_ref[...])
        out1 = ssum * dis_c + b1_ref[...]
        relu = jnp.maximum(out1, 0.0)
        v = jnp.sum(relu * w2_ref[...], axis=1, keepdims=True)
        g2_ref[...] = dis_c * v

    return pl.pallas_call(
        body,
        grid=(grid,),
        in_specs=[
            pl.BlockSpec((NC, r, dh), lambda i: (0, i, 0)),
            pl.BlockSpec((r, dh), lambda i: (i, 0)),
            pl.BlockSpec((1, r), lambda i: (0, i)),
            pl.BlockSpec((1, dh), lambda i: (0, 0)),
            pl.BlockSpec((1, dh), lambda i: (0, 0)),
        ],
        out_specs=pl.BlockSpec((r, 1), lambda i: (i, 0)),
        out_shape=jax.ShapeDtypeStruct((n, 1), jnp.float32),
    )(acc, g, dis, b1_row, w2_row)


def _tc_final(acc2_part, g2_row, dis, b2_val):
    nw, n = acc2_part.shape
    r = 1024
    grid = -(-n // r)

    def body(a2_ref, g2_ref, dis_ref, b2_ref, o_ref):
        tot = jnp.sum(a2_ref[...], axis=0, keepdims=True) + g2_ref[...]
        o_ref[...] = dis_ref[...] * tot + b2_ref[0, 0]

    return pl.pallas_call(
        body,
        grid=(grid,),
        in_specs=[
            pl.BlockSpec((nw, r), lambda i: (0, i)),
            pl.BlockSpec((1, r), lambda i: (0, i)),
            pl.BlockSpec((1, r), lambda i: (0, i)),
            pl.BlockSpec((1, 1), lambda i: (0, 0)),
        ],
        out_specs=pl.BlockSpec((1, r), lambda i: (0, i)),
        out_shape=jax.ShapeDtypeStruct((1, n), jnp.float32),
    )(acc2_part, g2_row, dis, b2_val)


def kernel(x, edge_index, W1, b1, W2, b2):
    n, din = x.shape
    dh = W1.shape[1]
    e = edge_index.shape[1]
    src = edge_index[0].astype(jnp.int32)
    dst = edge_index[1].astype(jnp.int32)

    epw = e // NW
    src_w = src.reshape(NW, epw)
    dst_w = dst.reshape(NW, epw)

    ones_t = jnp.ones((n,), jnp.float32)
    deg_part = _scalar_agg(ones_t, dst_w, dst_w, n)

    g, dis = _tc_prep(deg_part, x, W1)

    kk = 128
    n_chunks = -(-e // (NW * kk))
    n_chunks = -(-n_chunks // 4) * 4
    e_pad = NW * kk * n_chunks
    pad = e_pad - e
    n_pad_probe = -(-(n + 1) // (NS * 8)) * (NS * 8)
    pad_iota = jnp.arange(pad, dtype=jnp.int32)
    src_p = jnp.concatenate([src, pad_iota % n]).reshape(NW, n_chunks, kk)
    dst_p = jnp.concatenate(
        [dst, n + pad_iota % (n_pad_probe - n)]
    ).reshape(NW, n_chunks, kk)
    n_pad = -(-(n + 1) // (NS * 8)) * (NS * 8)
    zeros_tile = jnp.zeros((kk, dh), jnp.float32)
    acc = _row_agg(g, src_p, dst_p, zeros_tile, n_pad)
    acc = acc[:, :n, :]

    g2_col = _tc_layer2(acc, g, dis, b1.reshape(1, dh), W2.reshape(1, dh))
    g2 = g2_col.reshape(n)

    acc2_part = _scalar_agg(g2, src_w, dst_w, n)

    out = _tc_final(acc2_part, g2.reshape(1, n), dis, b2.reshape(1, 1))
    return out.reshape(n)

# --- scband reference (transcript-rebuilt; emitter-appended) ---
"""Pipeline reference for scband-gcn-38216618999855 (READ-ONLY COPY).

The authoritative reference and input builder live on the scoring server;
editing this copy changes nothing except your own understanding.
"""

import jax, jax.numpy as jnp
import numpy as np

N_NODES = 10000
N_EDGES = 320000
D_IN = 128
D_HID = 128


def setup_inputs(seed: int = 0) -> dict:
    key = jax.random.key(seed)
    k1, k2, k3, k4, k5 = jax.random.split(key, 5)
    x = jax.random.normal(k1, (N_NODES, D_IN), dtype=jnp.float32)
    edge_index = jax.random.randint(k2, (2, N_EDGES), 0, N_NODES, dtype=jnp.int64)
    # Glorot-style init for GCNConv weights
    W1 = jax.random.normal(k3, (D_IN, D_HID), dtype=jnp.float32) * (1.0 / np.sqrt(D_IN))
    b1 = jnp.zeros((D_HID,), dtype=jnp.float32)
    W2 = jax.random.normal(k4, (D_HID, 1), dtype=jnp.float32) * (1.0 / np.sqrt(D_HID))
    b2 = jnp.zeros((1,), dtype=jnp.float32)
    return {"x": x, "edge_index": edge_index, "W1": W1, "b1": b1, "W2": W2, "b2": b2}


def _gcn_conv(x, edge_index, W, b, num_nodes):
    # GCNConv: x' = D^{-1/2} (A + I) D^{-1/2} X W + b
    src = edge_index[0]
    dst = edge_index[1]
    loop = jnp.arange(num_nodes, dtype=src.dtype)
    src = jnp.concatenate([src, loop])
    dst = jnp.concatenate([dst, loop])
    deg = jnp.zeros((num_nodes,), dtype=x.dtype).at[dst].add(1.0)
    deg_inv_sqrt = jnp.where(deg > 0, jax.lax.rsqrt(deg), 0.0)
    norm = deg_inv_sqrt[src] * deg_inv_sqrt[dst]
    h = x @ W
    msg = h[src] * norm[:, None]
    out = jnp.zeros((num_nodes, h.shape[1]), dtype=h.dtype).at[dst].add(msg)
    return out + b


def reference(x, edge_index, W1, b1, W2, b2):
    num_nodes = x.shape[0]
    # encode: single conv layer (num_layers=2 -> 1 conv + head), eval mode so dropout is identity
    h = _gcn_conv(x, edge_index, W1, b1, num_nodes)
    h = jax.nn.relu(h)
    out = _gcn_conv(h, edge_index, W2, b2, num_nodes)
    return out.squeeze(-1)

if __name__ == "__main__":
    import jax
    _d = setup_inputs()
    print(jax.jit(kernel)(*tuple(_d.values())))

</pallas_src>

<mosaic_0001>
#map = affine_map<(d0, d1) -> (0)>
#map1 = affine_map<(d0, d1) -> (0, 0)>
module attributes {stable_mosaic.version = 14 : i64} {
  func.func @k(%arg0: i32, %arg1: i32, %arg2: memref<10000xf32, #tpu.memory_space<hbm>>, %arg3: memref<32x10000xi32, #tpu.memory_space<hbm>>, %arg4: memref<32x10000xi32, #tpu.memory_space<hbm>>, %arg5: memref<32x10000xf32, #tpu.memory_space<hbm>>, %arg6: memref<10000xf32, #tpu.memory_space<vmem>>, %arg7: memref<10000xi32, #tpu.memory_space<vmem>>, %arg8: memref<10000xi32, #tpu.memory_space<vmem>>, %arg9: memref<10000xf32, #tpu.memory_space<vmem>>) attributes {dimension_semantics = [#tpu.dimension_semantics<core_parallel>, #tpu.dimension_semantics<subcore_parallel>], iteration_bounds = array<i64: 2, 16>, scalar_prefetch = 0 : i64, scratch_operands = 4 : i64, tpu.core_type = #tpu.core_type<sc_vector_subcore>, window_params = [{transform_indices = #map}, {transform_indices = #map1}, {transform_indices = #map1}, {transform_indices = #map1}]} {
    %mul3A = arith.constant 2 : i32
    %mul3A_0 = arith.muli %arg1, %mul3A : i32
    %add3A = arith.addi %mul3A_0, %arg0 : i32
    "tpu.region"() ({
      %run_scoped3A = tpu.sem_alloc : memref<!tpu.dma_semaphore, #tpu.memory_space<semaphore_mem>>
      tpu.enqueue_dma source(%arg2 : memref<10000xf32, #tpu.memory_space<hbm>>) target(%arg6 : memref<10000xf32, #tpu.memory_space<vmem>>) target_semaphore(%run_scoped3A : memref<!tpu.dma_semaphore, #tpu.memory_space<semaphore_mem>>)
      tpu.wait_dma2 semaphore(%run_scoped3A : memref<!tpu.dma_semaphore, #tpu.memory_space<semaphore_mem>>) src(%arg2 : memref<10000xf32, #tpu.memory_space<hbm>>) dst(%arg6 : memref<10000xf32, #tpu.memory_space<vmem>>)
      tpu.yield
    }) : () -> ()
    "tpu.region"() ({
      %run_scoped3A = tpu.sem_alloc : memref<!tpu.dma_semaphore, #tpu.memory_space<semaphore_mem>>
      %dma_start3A = arith.constant 0 : i32
      %dma_start3A_10 = tpu.memref_slice %arg3[%add3A, %dma_start3A] : memref<32x10000xi32, #tpu.memory_space<hbm>> -> memref<1x10000xi32, #tpu.memory_space<hbm>>
      %dma_start3A_11 = tpu.memref_squeeze %dma_start3A_10 : memref<1x10000xi32, #tpu.memory_space<hbm>> -> memref<10000xi32, #tpu.memory_space<hbm>>
      %dma_start3A_12 = arith.constant 0 : i32
      %dma_start3A_13 = tpu.memref_slice %arg3[%add3A, %dma_start3A_12] : memref<32x10000xi32, #tpu.memory_space<hbm>> -> memref<1x10000xi32, #tpu.memory_space<hbm>>
      %dma_start3A_14 = tpu.memref_squeeze %dma_start3A_13 : memref<1x10000xi32, #tpu.memory_space<hbm>> -> memref<10000xi32, #tpu.memory_space<hbm>>
      tpu.enqueue_dma source(%dma_start3A_14 : memref<10000xi32, #tpu.memory_space<hbm>>) target(%arg7 : memref<10000xi32, #tpu.memory_space<vmem>>) target_semaphore(%run_scoped3A : memref<!tpu.dma_semaphore, #tpu.memory_space<semaphore_mem>>)
      %dma_wait3A = arith.constant 0 : i32
      %dma_wait3A_15 = tpu.memref_slice %arg3[%add3A, %dma_wait3A] : memref<32x10000xi32, #tpu.memory_space<hbm>> -> memref<1x10000xi32, #tpu.memory_space<hbm>>
      %dma_wait3A_16 = tpu.memref_squeeze %dma_wait3A_15 : memref<1x10000xi32, #tpu.memory_space<hbm>> -> memref<10000xi32, #tpu.memory_space<hbm>>
      %dma_wait3A_17 = arith.constant 0 : i32
      %dma_wait3A_18 = tpu.memref_slice %arg3[%add3A, %dma_wait3A_17] : memref<32x10000xi32, #tpu.memory_space<hbm>> -> memref<1x10000xi32, #tpu.memory_space<hbm>>
      %dma_wait3A_19 = tpu.memref_squeeze %dma_wait3A_18 : memref<1x10000xi32, #tpu.memory_space<hbm>> -> memref<10000xi32, #tpu.memory_space<hbm>>
      tpu.wait_dma2 semaphore(%run_scoped3A : memref<!tpu.dma_semaphore, #tpu.memory_space<semaphore_mem>>) src(%dma_wait3A_19 : memref<10000xi32, #tpu.memory_space<hbm>>) dst(%arg7 : memref<10000xi32, #tpu.memory_space<vmem>>)
      tpu.yield
    }) : () -> ()
    "tpu.region"() ({
      %run_scoped3A = tpu.sem_alloc : memref<!tpu.dma_semaphore, #tpu.memory_space<semaphore_mem>>
      %dma_start3A = arith.constant 0 : i32
      %dma_start3A_10 = tpu.memref_slice %arg4[%add3A, %dma_start3A] : memref<32x10000xi32, #tpu.memory_space<hbm>> -> memref<1x10000xi32, #tpu.memory_space<hbm>>
      %dma_start3A_11 = tpu.memref_squeeze %dma_start3A_10 : memref<1x10000xi32, #tpu.memory_space<hbm>> -> memref<10000xi32, #tpu.memory_space<hbm>>
      %dma_start3A_12 = arith.constant 0 : i32
      %dma_start3A_13 = tpu.memref_slice %arg4[%add3A, %dma_start3A_12] : memref<32x10000xi32, #tpu.memory_space<hbm>> -> memref<1x10000xi32, #tpu.memory_space<hbm>>
      %dma_start3A_14 = tpu.memref_squeeze %dma_start3A_13 : memref<1x10000xi32, #tpu.memory_space<hbm>> -> memref<10000xi32, #tpu.memory_space<hbm>>
      tpu.enqueue_dma source(%dma_start3A_14 : memref<10000xi32, #tpu.memory_space<hbm>>) target(%arg8 : memref<10000xi32, #tpu.memory_space<vmem>>) target_semaphore(%run_scoped3A : memref<!tpu.dma_semaphore, #tpu.memory_space<semaphore_mem>>)
      %dma_wait3A = arith.constant 0 : i32
      %dma_wait3A_15 = tpu.memref_slice %arg4[%add3A, %dma_wait3A] : memref<32x10000xi32, #tpu.memory_space<hbm>> -> memref<1x10000xi32, #tpu.memory_space<hbm>>
      %dma_wait3A_16 = tpu.memref_squeeze %dma_wait3A_15 : memref<1x10000xi32, #tpu.memory_space<hbm>> -> memref<10000xi32, #tpu.memory_space<hbm>>
      %dma_wait3A_17 = arith.constant 0 : i32
      %dma_wait3A_18 = tpu.memref_slice %arg4[%add3A, %dma_wait3A_17] : memref<32x10000xi32, #tpu.memory_space<hbm>> -> memref<1x10000xi32, #tpu.memory_space<hbm>>
      %dma_wait3A_19 = tpu.memref_squeeze %dma_wait3A_18 : memref<1x10000xi32, #tpu.memory_space<hbm>> -> memref<10000xi32, #tpu.memory_space<hbm>>
      tpu.wait_dma2 semaphore(%run_scoped3A : memref<!tpu.dma_semaphore, #tpu.memory_space<semaphore_mem>>) src(%dma_wait3A_19 : memref<10000xi32, #tpu.memory_space<hbm>>) dst(%arg8 : memref<10000xi32, #tpu.memory_space<vmem>>)
      tpu.yield
    }) : () -> ()
    %scan3A = arith.constant 0 : i32
    %scan3A_1 = arith.constant 625 : i32
    %scan3A_2 = arith.addi %scan3A, %scan3A_1 : i32
    %scan3A_3 = arith.constant 1 : i32
    scf.for %scan3A_10 = %scan3A to %scan3A_2 step %scan3A_3  : i32 {
      %mul3A_11 = arith.constant 16 : i32
      %mul3A_12 = arith.muli %scan3A_10, %mul3A_11 : i32
      %add3A_13 = arith.constant 0 : i32
      %add3A_14 = arith.addi %add3A_13, %mul3A_12 : i32
      %broadcast_in_dim3A = arith.constant 0.000000e+00 : f32
      %broadcast_in_dim3A_15 = vector.broadcast %broadcast_in_dim3A : f32 to vector<16xf32>
      %swap3A = arith.index_cast %add3A_14 : i32 to index
      %swap3A_16 = tpu.vector_load %arg9[%swap3A] {strides = array<i32>} : memref<10000xf32, #tpu.memory_space<vmem>>, vector<16xf32>,
      tpu.vector_store %arg9[%swap3A], %broadcast_in_dim3A_15 {strides = array<i32>} : memref<10000xf32, #tpu.memory_space<vmem>>, vector<16xf32>,
    }
    %scan3A_4 = arith.constant 625 : i32
    %scan3A_5 = arith.constant 0 : i32
    %scan3A_6 = arith.constant 625 : i32
    %scan3A_7 = arith.addi %scan3A_5, %scan3A_6 : i32
    %scan3A_8 = arith.constant 1 : i32
    scf.for %scan3A_10 = %scan3A_5 to %scan3A_7 step %scan3A_8  : i32 {
      %mul3A_11 = arith.constant 16 : i32
      %mul3A_12 = arith.muli %scan3A_10, %mul3A_11 : i32
      %add3A_13 = arith.constant 0 : i32
      %add3A_14 = arith.addi %add3A_13, %mul3A_12 : i32
      %get3A = arith.index_cast %add3A_14 : i32 to index
      %get3A_15 = tpu.vector_load %arg7[%get3A] {strides = array<i32>} : memref<10000xi32, #tpu.memory_space<vmem>>, vector<16xi32>,
      %get3A_16 = arith.index_cast %add3A_14 : i32 to index
      %get3A_17 = tpu.vector_load %arg8[%get3A_16] {strides = array<i32>} : memref<10000xi32, #tpu.memory_space<vmem>>, vector<16xi32>,
      %gather3A = tpu.vector_load_idx %arg6[%get3A_15] : memref<10000xf32, #tpu.memory_space<vmem>>[vector<16xi32>], vector<16xf32>,
      tpu.vector_store_idx %arg9[%get3A_17], %gather3A {add = true} : memref<10000xf32, #tpu.memory_space<vmem>>[vector<16xi32>], vector<16xf32>,
    }
    %scan3A_9 = arith.constant 625 : i32
    "tpu.region"() ({
      %run_scoped3A = tpu.sem_alloc : memref<!tpu.dma_semaphore, #tpu.memory_space<semaphore_mem>>
      %dma_start3A = arith.constant 0 : i32
      %dma_start3A_10 = tpu.memref_slice %arg5[%add3A, %dma_start3A] : memref<32x10000xf32, #tpu.memory_space<hbm>> -> memref<1x10000xf32, #tpu.memory_space<hbm>>
      %dma_start3A_11 = tpu.memref_squeeze %dma_start3A_10 : memref<1x10000xf32, #tpu.memory_space<hbm>> -> memref<10000xf32, #tpu.memory_space<hbm>>
      %dma_start3A_12 = arith.constant 0 : i32
      %dma_start3A_13 = tpu.memref_slice %arg5[%add3A, %dma_start3A_12] : memref<32x10000xf32, #tpu.memory_space<hbm>> -> memref<1x10000xf32, #tpu.memory_space<hbm>>
      %dma_start3A_14 = tpu.memref_squeeze %dma_start3A_13 : memref<1x10000xf32, #tpu.memory_space<hbm>> -> memref<10000xf32, #tpu.memory_space<hbm>>
      tpu.enqueue_dma source(%arg9 : memref<10000xf32, #tpu.memory_space<vmem>>) target(%dma_start3A_14 : memref<10000xf32, #tpu.memory_space<hbm>>) target_semaphore(%run_scoped3A : memref<!tpu.dma_semaphore, #tpu.memory_space<semaphore_mem>>)
      %dma_wait3A = arith.constant 0 : i32
      %dma_wait3A_15 = tpu.memref_slice %arg5[%add3A, %dma_wait3A] : memref<32x10000xf32, #tpu.memory_space<hbm>> -> memref<1x10000xf32, #tpu.memory_space<hbm>>
      %dma_wait3A_16 = tpu.memref_squeeze %dma_wait3A_15 : memref<1x10000xf32, #tpu.memory_space<hbm>> -> memref<10000xf32, #tpu.memory_space<hbm>>
      %dma_wait3A_17 = arith.constant 0 : i32
      %dma_wait3A_18 = tpu.memref_slice %arg5[%add3A, %dma_wait3A_17] : memref<32x10000xf32, #tpu.memory_space<hbm>> -> memref<1x10000xf32, #tpu.memory_space<hbm>>
      %dma_wait3A_19 = tpu.memref_squeeze %dma_wait3A_18 : memref<1x10000xf32, #tpu.memory_space<hbm>> -> memref<10000xf32, #tpu.memory_space<hbm>>
      tpu.wait_dma2 semaphore(%run_scoped3A : memref<!tpu.dma_semaphore, #tpu.memory_space<semaphore_mem>>) src(%arg9 : memref<10000xf32, #tpu.memory_space<vmem>>) dst(%dma_wait3A_19 : memref<10000xf32, #tpu.memory_space<hbm>>)
      tpu.yield
    }) : () -> ()
    return
  }
}

#map = affine_map<(d0, d1) -> (0, 0)>
#map1 = affine_map<(d0, d1) -> (0, 0, 0)>
module attributes {stable_mosaic.version = 14 : i64} {
  func.func @k(%arg0: i32, %arg1: i32, %arg2: memref<10000x128xf32, #tpu.memory_space<hbm>>, %arg3: memref<32x80x128xi32, #tpu.memory_space<hbm>>, %arg4: memref<32x80x128xi32, #tpu.memory_space<hbm>>, %arg5: memref<128x128xf32, #tpu.memory_space<hbm>>, %arg6: memref<2x10112x128xf32, #tpu.memory_space<hbm>>, %arg7: memref<40x128xi32, #tpu.memory_space<vmem>>, %arg8: memref<40x128xi32, #tpu.memory_space<vmem>>, %arg9: memref<128x128xf32, #tpu.memory_space<vmem>>, %arg10: memref<128x128xf32, #tpu.memory_space<vmem>>, %arg11: memref<10112x128xf32, #tpu.memory_space<vmem_shared>>, %arg12: memref<!tpu.dma_semaphore, #tpu.memory_space<semaphore_mem>>, %arg13: memref<!tpu.dma_semaphore, #tpu.memory_space<semaphore_mem>>) attributes {dimension_semantics = [#tpu.dimension_semantics<core_parallel>, #tpu.dimension_semantics<subcore_parallel>], iteration_bounds = array<i64: 2, 16>, scalar_prefetch = 0 : i64, scratch_operands = 7 : i64, tpu.core_type = #tpu.core_type<sc_vector_subcore>, window_params = [{transform_indices = #map}, {transform_indices = #map1}, {transform_indices = #map1}, {transform_indices = #map}, {transform_indices = #map1}]} {
    %mul3A = arith.constant 2 : i32
    %mul3A_0 = arith.muli %arg1, %mul3A : i32
    %add3A = arith.addi %mul3A_0, %arg0 : i32
    "tpu.region"() ({
      %run_scoped3A = tpu.sem_alloc : memref<!tpu.dma_semaphore, #tpu.memory_space<semaphore_mem>>
      tpu.enqueue_dma source(%arg5 : memref<128x128xf32, #tpu.memory_space<hbm>>) target(%arg9 : memref<128x128xf32, #tpu.memory_space<vmem>>) target_semaphore(%run_scoped3A : memref<!tpu.dma_semaphore, #tpu.memory_space<semaphore_mem>>)
      tpu.wait_dma2 semaphore(%run_scoped3A : memref<!tpu.dma_semaphore, #tpu.memory_space<semaphore_mem>>) src(%arg5 : memref<128x128xf32, #tpu.memory_space<hbm>>) dst(%arg9 : memref<128x128xf32, #tpu.memory_space<vmem>>)
      tpu.yield
    }) : () -> ()
    %mul3A_1 = arith.constant 632 : i32
    %mul3A_2 = arith.muli %arg1, %mul3A_1 : i32
    %add3A_3 = arith.constant 0 : i32
    %add3A_4 = arith.addi %mul3A_2, %add3A_3 : i32
    "tpu.region"() ({
      %run_scoped3A = tpu.sem_alloc : memref<!tpu.dma_semaphore, #tpu.memory_space<semaphore_mem>>
      %dma_start3A_54 = arith.constant 0 : i32
      %dma_start3A_55 = arith.constant 0 : i32
      %dma_start3A_56 = tpu.memref_slice %arg9[%dma_start3A_54, %dma_start3A_55] : memref<128x128xf32, #tpu.memory_space<vmem>> -> memref<128x128xf32, #tpu.memory_space<vmem>>
      %dma_start3A_57 = arith.constant 0 : i32
      %dma_start3A_58 = tpu.memref_slice %arg11[%add3A_4, %dma_start3A_57] : memref<10112x128xf32, #tpu.memory_space<vmem_shared>> -> memref<128x128xf32, #tpu.memory_space<vmem_shared>>
      %dma_start3A_59 = arith.constant 0 : i32
      %dma_start3A_60 = tpu.memref_slice %arg11[%add3A_4, %dma_start3A_59] : memref<10112x128xf32, #tpu.memory_space<vmem_shared>> -> memref<128x128xf32, #tpu.memory_space<vmem_shared>>
      %dma_start3A_61 = arith.constant 0 : i32
      %dma_start3A_62 = arith.constant 0 : i32
      %dma_start3A_63 = tpu.memref_slice %arg9[%dma_start3A_61, %dma_start3A_62] : memref<128x128xf32, #tpu.memory_space<vmem>> -> memref<128x128xf32, #tpu.memory_space<vmem>>
      tpu.enqueue_dma source(%dma_start3A_63 : memref<128x128xf32, #tpu.memory_space<vmem>>) target(%dma_start3A_60 : memref<128x128xf32, #tpu.memory_space<vmem_shared>>) target_semaphore(%run_scoped3A : memref<!tpu.dma_semaphore, #tpu.memory_space<semaphore_mem>>)
      %dma_wait3A = arith.constant 0 : i32
      %dma_wait3A_64 = arith.constant 0 : i32
      %dma_wait3A_65 = tpu.memref_slice %arg9[%dma_wait3A, %dma_wait3A_64] : memref<128x128xf32, #tpu.memory_space<vmem>> -> memref<128x128xf32, #tpu.memory_space<vmem>>
      %dma_wait3A_66 = arith.constant 0 : i32
      %dma_wait3A_67 = tpu.memref_slice %arg11[%add3A_4, %dma_wait3A_66] : memref<10112x128xf32, #tpu.memory_space<vmem_shared>> -> memref<128x128xf32, #tpu.memory_space<vmem_shared>>
      %dma_wait3A_68 = arith.constant 0 : i32
      %dma_wait3A_69 = tpu.memref_slice %arg11[%add3A_4, %dma_wait3A_68] : memref<10112x128xf32, #tpu.memory_space<vmem_shared>> -> memref<128x128xf32, #tpu.memory_space<vmem_shared>>
      %dma_wait3A_70 = arith.constant 0 : i32
      %dma_wait3A_71 = arith.constant 0 : i32
      %dma_wait3A_72 = tpu.memref_slice %arg9[%dma_wait3A_70, %dma_wait3A_71] : memref<128x128xf32, #tpu.memory_space<vmem>> -> memref<128x128xf32, #tpu.memory_space<vmem>>
      tpu.wait_dma2 semaphore(%run_scoped3A : memref<!tpu.dma_semaphore, #tpu.memory_space<semaphore_mem>>) src(%dma_wait3A_72 : memref<128x128xf32, #tpu.memory_space<vmem>>) dst(%dma_wait3A_69 : memref<128x128xf32, #tpu.memory_space<vmem_shared>>)
      tpu.yield
    }) : () -> ()
    %add3A_5 = arith.constant 128 : i32
    %add3A_6 = arith.addi %mul3A_2, %add3A_5 : i32
    "tpu.region"() ({
      %run_scoped3A = tpu.sem_alloc : memref<!tpu.dma_semaphore, #tpu.memory_space<semaphore_mem>>
      %dma_start3A_54 = arith.constant 0 : i32
      %dma_start3A_55 = arith.constant 0 : i32
      %dma_start3A_56 = tpu.memref_slice %arg9[%dma_start3A_54, %dma_start3A_55] : memref<128x128xf32, #tpu.memory_space<vmem>> -> memref<128x128xf32, #tpu.memory_space<vmem>>
      %dma_start3A_57 = arith.constant 0 : i32
      %dma_start3A_58 = tpu.memref_slice %arg11[%add3A_6, %dma_start3A_57] : memref<10112x128xf32, #tpu.memory_space<vmem_shared>> -> memref<128x128xf32, #tpu.memory_space<vmem_shared>>
      %dma_start3A_59 = arith.constant 0 : i32
      %dma_start3A_60 = tpu.memref_slice %arg11[%add3A_6, %dma_start3A_59] : memref<10112x128xf32, #tpu.memory_space<vmem_shared>> -> memref<128x128xf32, #tpu.memory_space<vmem_shared>>
      %dma_start3A_61 = arith.constant 0 : i32
      %dma_start3A_62 = arith.constant 0 : i32
      %dma_start3A_63 = tpu.memref_slice %arg9[%dma_start3A_61, %dma_start3A_62] : memref<128x128xf32, #tpu.memory_space<vmem>> -> memref<128x128xf32, #tpu.memory_space<vmem>>
      tpu.enqueue_dma source(%dma_start3A_63 : memref<128x128xf32, #tpu.memory_space<vmem>>) target(%dma_start3A_60 : memref<128x128xf32, #tpu.memory_space<vmem_shared>>) target_semaphore(%run_scoped3A : memref<!tpu.dma_semaphore, #tpu.memory_space<semaphore_mem>>)
      %dma_wait3A = arith.constant 0 : i32
      %dma_wait3A_64 = arith.constant 0 : i32
      %dma_wait3A_65 = tpu.memref_slice %arg9[%dma_wait3A, %dma_wait3A_64] : memref<128x128xf32, #tpu.memory_space<vmem>> -> memref<128x128xf32, #tpu.memory_space<vmem>>
      %dma_wait3A_66 = arith.constant 0 : i32
      %dma_wait3A_67 = tpu.memref_slice %arg11[%add3A_6, %dma_wait3A_66] : memref<10112x128xf32, #tpu.memory_space<vmem_shared>> -> memref<128x128xf32, #tpu.memory_space<vmem_shared>>
      %dma_wait3A_68 = arith.constant 0 : i32
      %dma_wait3A_69 = tpu.memref_slice %arg11[%add3A_6, %dma_wait3A_68] : memref<10112x128xf32, #tpu.memory_space<vmem_shared>> -> memref<128x128xf32, #tpu.memory_space<vmem_shared>>
      %dma_wait3A_70 = arith.constant 0 : i32
      %dma_wait3A_71 = arith.constant 0 : i32
      %dma_wait3A_72 = tpu.memref_slice %arg9[%dma_wait3A_70, %dma_wait3A_71] : memref<128x128xf32, #tpu.memory_space<vmem>> -> memref<128x128xf32, #tpu.memory_space<vmem>>
      tpu.wait_dma2 semaphore(%run_scoped3A : memref<!tpu.dma_semaphore, #tpu.memory_space<semaphore_mem>>) src(%dma_wait3A_72 : memref<128x128xf32, #tpu.memory_space<vmem>>) dst(%dma_wait3A_69 : memref<128x128xf32, #tpu.memory_space<vmem_shared>>)
      tpu.yield
    }) : () -> ()
    %add3A_7 = arith.constant 256 : i32
    %add3A_8 = arith.addi %mul3A_2, %add3A_7 : i32
    "tpu.region"() ({
      %run_scoped3A = tpu.sem_alloc : memref<!tpu.dma_semaphore, #tpu.memory_space<semaphore_mem>>
      %dma_start3A_54 = arith.constant 0 : i32
      %dma_start3A_55 = arith.constant 0 : i32
      %dma_start3A_56 = tpu.memref_slice %arg9[%dma_start3A_54, %dma_start3A_55] : memref<128x128xf32, #tpu.memory_space<vmem>> -> memref<128x128xf32, #tpu.memory_space<vmem>>
      %dma_start3A_57 = arith.constant 0 : i32
      %dma_start3A_58 = tpu.memref_slice %arg11[%add3A_8, %dma_start3A_57] : memref<10112x128xf32, #tpu.memory_space<vmem_shared>> -> memref<128x128xf32, #tpu.memory_space<vmem_shared>>
      %dma_start3A_59 = arith.constant 0 : i32
      %dma_start3A_60 = tpu.memref_slice %arg11[%add3A_8, %dma_start3A_59] : memref<10112x128xf32, #tpu.memory_space<vmem_shared>> -> memref<128x128xf32, #tpu.memory_space<vmem_shared>>
      %dma_start3A_61 = arith.constant 0 : i32
      %dma_start3A_62 = arith.constant 0 : i32
      %dma_start3A_63 = tpu.memref_slice %arg9[%dma_start3A_61, %dma_start3A_62] : memref<128x128xf32, #tpu.memory_space<vmem>> -> memref<128x128xf32, #tpu.memory_space<vmem>>
      tpu.enqueue_dma source(%dma_start3A_63 : memref<128x128xf32, #tpu.memory_space<vmem>>) target(%dma_start3A_60 : memref<128x128xf32, #tpu.memory_space<vmem_shared>>) target_semaphore(%run_scoped3A : memref<!tpu.dma_semaphore, #tpu.memory_space<semaphore_mem>>)
      %dma_wait3A = arith.constant 0 : i32
      %dma_wait3A_64 = arith.constant 0 : i32
      %dma_wait3A_65 = tpu.memref_slice %arg9[%dma_wait3A, %dma_wait3A_64] : memref<128x128xf32, #tpu.memory_space<vmem>> -> memref<128x128xf32, #tpu.memory_space<vmem>>
      %dma_wait3A_66 = arith.constant 0 : i32
      %dma_wait3A_67 = tpu.memref_slice %arg11[%add3A_8, %dma_wait3A_66] : memref<10112x128xf32, #tpu.memory_space<vmem_shared>> -> memref<128x128xf32, #tpu.memory_space<vmem_shared>>
      %dma_wait3A_68 = arith.constant 0 : i32
      %dma_wait3A_69 = tpu.memref_slice %arg11[%add3A_8, %dma_wait3A_68] : memref<10112x128xf32, #tpu.memory_space<vmem_shared>> -> memref<128x128xf32, #tpu.memory_space<vmem_shared>>
      %dma_wait3A_70 = arith.constant 0 : i32
      %dma_wait3A_71 = arith.constant 0 : i32
      %dma_wait3A_72 = tpu.memref_slice %arg9[%dma_wait3A_70, %dma_wait3A_71] : memref<128x128xf32, #tpu.memory_space<vmem>> -> memref<128x128xf32, #tpu.memory_space<vmem>>
      tpu.wait_dma2 semaphore(%run_scoped3A : memref<!tpu.dma_semaphore, #tpu.memory_space<semaphore_mem>>) src(%dma_wait3A_72 : memref<128x128xf32, #tpu.memory_space<vmem>>) dst(%dma_wait3A_69 : memref<128x128xf32, #tpu.memory_space<vmem_shared>>)
      tpu.yield
    }) : () -> ()
    %add3A_9 = arith.constant 384 : i32
    %add3A_10 = arith.addi %mul3A_2, %add3A_9 : i32
    "tpu.region"() ({
      %run_scoped3A = tpu.sem_alloc : memref<!tpu.dma_semaphore, #tpu.memory_space<semaphore_mem>>
      %dma_start3A_54 = arith.constant 0 : i32
      %dma_start3A_55 = arith.constant 0 : i32
      %dma_start3A_56 = tpu.memref_slice %arg9[%dma_start3A_54, %dma_start3A_55] : memref<128x128xf32, #tpu.memory_space<vmem>> -> memref<128x128xf32, #tpu.memory_space<vmem>>
      %dma_start3A_57 = arith.constant 0 : i32
      %dma_start3A_58 = tpu.memref_slice %arg11[%add3A_10, %dma_start3A_57] : memref<10112x128xf32, #tpu.memory_space<vmem_shared>> -> memref<128x128xf32, #tpu.memory_space<vmem_shared>>
      %dma_start3A_59 = arith.constant 0 : i32
      %dma_start3A_60 = tpu.memref_slice %arg11[%add3A_10, %dma_start3A_59] : memref<10112x128xf32, #tpu.memory_space<vmem_shared>> -> memref<128x128xf32, #tpu.memory_space<vmem_shared>>
      %dma_start3A_61 = arith.constant 0 : i32
      %dma_start3A_62 = arith.constant 0 : i32
      %dma_start3A_63 = tpu.memref_slice %arg9[%dma_start3A_61, %dma_start3A_62] : memref<128x128xf32, #tpu.memory_space<vmem>> -> memref<128x128xf32, #tpu.memory_space<vmem>>
      tpu.enqueue_dma source(%dma_start3A_63 : memref<128x128xf32, #tpu.memory_space<vmem>>) target(%dma_start3A_60 : memref<128x128xf32, #tpu.memory_space<vmem_shared>>) target_semaphore(%run_scoped3A : memref<!tpu.dma_semaphore, #tpu.memory_space<semaphore_mem>>)
      %dma_wait3A = arith.constant 0 : i32
      %dma_wait3A_64 = arith.constant 0 : i32
      %dma_wait3A_65 = tpu.memref_slice %arg9[%dma_wait3A, %dma_wait3A_64] : memref<128x128xf32, #tpu.memory_space<vmem>> -> memref<128x128xf32, #tpu.memory_space<vmem>>
      %dma_wait3A_66 = arith.constant 0 : i32
      %dma_wait3A_67 = tpu.memref_slice %arg11[%add3A_10, %dma_wait3A_66] : memref<10112x128xf32, #tpu.memory_space<vmem_shared>> -> memref<128x128xf32, #tpu.memory_space<vmem_shared>>
      %dma_wait3A_68 = arith.constant 0 : i32
      %dma_wait3A_69 = tpu.memref_slice %arg11[%add3A_10, %dma_wait3A_68] : memref<10112x128xf32, #tpu.memory_space<vmem_shared>> -> memref<128x128xf32, #tpu.memory_space<vmem_shared>>
      %dma_wait3A_70 = arith.constant 0 : i32
      %dma_wait3A_71 = arith.constant 0 : i32
      %dma_wait3A_72 = tpu.memref_slice %arg9[%dma_wait3A_70, %dma_wait3A_71] : memref<128x128xf32, #tpu.memory_space<vmem>> -> memref<128x128xf32, #tpu.memory_space<vmem>>
      tpu.wait_dma2 semaphore(%run_scoped3A : memref<!tpu.dma_semaphore, #tpu.memory_space<semaphore_mem>>) src(%dma_wait3A_72 : memref<128x128xf32, #tpu.memory_space<vmem>>) dst(%dma_wait3A_69 : memref<128x128xf32, #tpu.memory_space<vmem_shared>>)
      tpu.yield
    }) : () -> ()
    %add3A_11 = arith.constant 512 : i32
    %add3A_12 = arith.addi %mul3A_2, %add3A_11 : i32
    "tpu.region"() ({
      %run_scoped3A = tpu.sem_alloc : memref<!tpu.dma_semaphore, #tpu.memory_space<semaphore_mem>>
      %dma_start3A_54 = arith.constant 0 : i32
      %dma_start3A_55 = arith.constant 0 : i32
      %dma_start3A_56 = tpu.memref_slice %arg9[%dma_start3A_54, %dma_start3A_55] : memref<128x128xf32, #tpu.memory_space<vmem>> -> memref<120x128xf32, #tpu.memory_space<vmem>>
      %dma_start3A_57 = arith.constant 0 : i32
      %dma_start3A_58 = tpu.memref_slice %arg11[%add3A_12, %dma_start3A_57] : memref<10112x128xf32, #tpu.memory_space<vmem_shared>> -> memref<120x128xf32, #tpu.memory_space<vmem_shared>>
      %dma_start3A_59 = arith.constant 0 : i32
      %dma_start3A_60 = tpu.memref_slice %arg11[%add3A_12, %dma_start3A_59] : memref<10112x128xf32, #tpu.memory_space<vmem_shared>> -> memref<120x128xf32, #tpu.memory_space<vmem_shared>>
      %dma_start3A_61 = arith.constant 0 : i32
      %dma_start3A_62 = arith.constant 0 : i32
      %dma_start3A_63 = tpu.memref_slice %arg9[%dma_start3A_61, %dma_start3A_62] : memref<128x128xf32, #tpu.memory_space<vmem>> -> memref<120x128xf32, #tpu.memory_space<vmem>>
      tpu.enqueue_dma source(%dma_start3A_63 : memref<120x128xf32, #tpu.memory_space<vmem>>) target(%dma_start3A_60 : memref<120x128xf32, #tpu.memory_space<vmem_shared>>) target_semaphore(%run_scoped3A : memref<!tpu.dma_semaphore, #tpu.memory_space<semaphore_mem>>)
      %dma_wait3A = arith.constant 0 : i32
      %dma_wait3A_64 = arith.constant 0 : i32
      %dma_wait3A_65 = tpu.memref_slice %arg9[%dma_wait3A, %dma_wait3A_64] : memref<128x128xf32, #tpu.memory_space<vmem>> -> memref<120x128xf32, #tpu.memory_space<vmem>>
      %dma_wait3A_66 = arith.constant 0 : i32
      %dma_wait3A_67 = tpu.memref_slice %arg11[%add3A_12, %dma_wait3A_66] : memref<10112x128xf32, #tpu.memory_space<vmem_shared>> -> memref<120x128xf32, #tpu.memory_space<vmem_shared>>
      %dma_wait3A_68 = arith.constant 0 : i32
      %dma_wait3A_69 = tpu.memref_slice %arg11[%add3A_12, %dma_wait3A_68] : memref<10112x128xf32, #tpu.memory_space<vmem_shared>> -> memref<120x128xf32, #tpu.memory_space<vmem_shared>>
      %dma_wait3A_70 = arith.constant 0 : i32
      %dma_wait3A_71 = arith.constant 0 : i32
      %dma_wait3A_72 = tpu.memref_slice %arg9[%dma_wait3A_70, %dma_wait3A_71] : memref<128x128xf32, #tpu.memory_space<vmem>> -> memref<120x128xf32, #tpu.memory_space<vmem>>
      tpu.wait_dma2 semaphore(%run_scoped3A : memref<!tpu.dma_semaphore, #tpu.memory_space<semaphore_mem>>) src(%dma_wait3A_72 : memref<120x128xf32, #tpu.memory_space<vmem>>) dst(%dma_wait3A_69 : memref<120x128xf32, #tpu.memory_space<vmem_shared>>)
      tpu.yield
    }) : () -> ()
    %barrier3A = arith.constant 0 : index
    tpu.barrier barrier_id(%barrier3A)
    "tpu.region"() ({
      %run_scoped3A = tpu.sem_alloc : memref<!tpu.dma_semaphore, #tpu.memory_space<semaphore_mem>>
      %dma_start3A_54 = arith.constant 0 : i32
      %dma_start3A_55 = arith.constant 0 : i32
      %dma_start3A_56 = tpu.memref_slice %arg3[%add3A, %dma_start3A_54, %dma_start3A_55] : memref<32x80x128xi32, #tpu.memory_space<hbm>> -> memref<1x40x128xi32, #tpu.memory_space<hbm>>
      %dma_start3A_57 = tpu.memref_squeeze %dma_start3A_56 : memref<1x40x128xi32, #tpu.memory_space<hbm>> -> memref<40x128xi32, #tpu.memory_space<hbm>>
      %dma_start3A_58 = arith.constant 0 : i32
      %dma_start3A_59 = arith.constant 0 : i32
      %dma_start3A_60 = tpu.memref_slice %arg3[%add3A, %dma_start3A_58, %dma_start3A_59] : memref<32x80x128xi32, #tpu.memory_space<hbm>> -> memref<1x40x128xi32, #tpu.memory_space<hbm>>
      %dma_start3A_61 = tpu.memref_squeeze %dma_start3A_60 : memref<1x40x128xi32, #tpu.memory_space<hbm>> -> memref<40x128xi32, #tpu.memory_space<hbm>>
      tpu.enqueue_dma source(%dma_start3A_61 : memref<40x128xi32, #tpu.memory_space<hbm>>) target(%arg7 : memref<40x128xi32, #tpu.memory_space<vmem>>) target_semaphore(%run_scoped3A : memref<!tpu.dma_semaphore, #tpu.memory_space<semaphore_mem>>)
      %dma_wait3A = arith.constant 0 : i32
      %dma_wait3A_62 = arith.constant 0 : i32
      %dma_wait3A_63 = tpu.memref_slice %arg3[%add3A, %dma_wait3A, %dma_wait3A_62] : memref<32x80x128xi32, #tpu.memory_space<hbm>> -> memref<1x40x128xi32, #tpu.memory_space<hbm>>
      %dma_wait3A_64 = tpu.memref_squeeze %dma_wait3A_63 : memref<1x40x128xi32, #tpu.memory_space<hbm>> -> memref<40x128xi32, #tpu.memory_space<hbm>>
      %dma_wait3A_65 = arith.constant 0 : i32
      %dma_wait3A_66 = arith.constant 0 : i32
      %dma_wait3A_67 = tpu.memref_slice %arg3[%add3A, %dma_wait3A_65, %dma_wait3A_66] : memref<32x80x128xi32, #tpu.memory_space<hbm>> -> memref<1x40x128xi32, #tpu.memory_space<hbm>>
      %dma_wait3A_68 = tpu.memref_squeeze %dma_wait3A_67 : memref<1x40x128xi32, #tpu.memory_space<hbm>> -> memref<40x128xi32, #tpu.memory_space<hbm>>
      tpu.wait_dma2 semaphore(%run_scoped3A : memref<!tpu.dma_semaphore, #tpu.memory_space<semaphore_mem>>) src(%dma_wait3A_68 : memref<40x128xi32, #tpu.memory_space<hbm>>) dst(%arg7 : memref<40x128xi32, #tpu.memory_space<vmem>>)
      tpu.yield
    }) : () -> ()
    "tpu.region"() ({
      %run_scoped3A = tpu.sem_alloc : memref<!tpu.dma_semaphore, #tpu.memory_space<semaphore_mem>>
      %dma_start3A_54 = arith.constant 0 : i32
      %dma_start3A_55 = arith.constant 0 : i32
      %dma_start3A_56 = tpu.memref_slice %arg4[%add3A, %dma_start3A_54, %dma_start3A_55] : memref<32x80x128xi32, #tpu.memory_space<hbm>> -> memref<1x40x128xi32, #tpu.memory_space<hbm>>
      %dma_start3A_57 = tpu.memref_squeeze %dma_start3A_56 : memref<1x40x128xi32, #tpu.memory_space<hbm>> -> memref<40x128xi32, #tpu.memory_space<hbm>>
      %dma_start3A_58 = arith.constant 0 : i32
      %dma_start3A_59 = arith.constant 0 : i32
      %dma_start3A_60 = tpu.memref_slice %arg4[%add3A, %dma_start3A_58, %dma_start3A_59] : memref<32x80x128xi32, #tpu.memory_space<hbm>> -> memref<1x40x128xi32, #tpu.memory_space<hbm>>
      %dma_start3A_61 = tpu.memref_squeeze %dma_start3A_60 : memref<1x40x128xi32, #tpu.memory_space<hbm>> -> memref<40x128xi32, #tpu.memory_space<hbm>>
      tpu.enqueue_dma source(%dma_start3A_61 : memref<40x128xi32, #tpu.memory_space<hbm>>) target(%arg8 : memref<40x128xi32, #tpu.memory_space<vmem>>) target_semaphore(%run_scoped3A : memref<!tpu.dma_semaphore, #tpu.memory_space<semaphore_mem>>)
      %dma_wait3A = arith.constant 0 : i32
      %dma_wait3A_62 = arith.constant 0 : i32
      %dma_wait3A_63 = tpu.memref_slice %arg4[%add3A, %dma_wait3A, %dma_wait3A_62] : memref<32x80x128xi32, #tpu.memory_space<hbm>> -> memref<1x40x128xi32, #tpu.memory_space<hbm>>
      %dma_wait3A_64 = tpu.memref_squeeze %dma_wait3A_63 : memref<1x40x128xi32, #tpu.memory_space<hbm>> -> memref<40x128xi32, #tpu.memory_space<hbm>>
      %dma_wait3A_65 = arith.constant 0 : i32
      %dma_wait3A_66 = arith.constant 0 : i32
      %dma_wait3A_67 = tpu.memref_slice %arg4[%add3A, %dma_wait3A_65, %dma_wait3A_66] : memref<32x80x128xi32, #tpu.memory_space<hbm>> -> memref<1x40x128xi32, #tpu.memory_space<hbm>>
      %dma_wait3A_68 = tpu.memref_squeeze %dma_wait3A_67 : memref<1x40x128xi32, #tpu.memory_space<hbm>> -> memref<40x128xi32, #tpu.memory_space<hbm>>
      tpu.wait_dma2 semaphore(%run_scoped3A : memref<!tpu.dma_semaphore, #tpu.memory_space<semaphore_mem>>) src(%dma_wait3A_68 : memref<40x128xi32, #tpu.memory_space<hbm>>) dst(%arg8 : memref<40x128xi32, #tpu.memory_space<vmem>>)
      tpu.yield
    }) : () -> ()
    %dma_start3A = arith.constant 0 : i32
    %dma_start3A_13 = arith.constant 0 : i32
    %dma_start3A_14 = tpu.memref_slice %arg7[%dma_start3A, %dma_start3A_13] : memref<40x128xi32, #tpu.memory_space<vmem>> -> memref<1x128xi32, #tpu.memory_space<vmem>>
    %dma_start3A_15 = tpu.memref_squeeze %dma_start3A_14 : memref<1x128xi32, #tpu.memory_space<vmem>> -> memref<128xi32, #tpu.memory_space<vmem>>
    %dma_start3A_16 = arith.constant 0 : i32
    %dma_start3A_17 = arith.constant 0 : i32
    %dma_start3A_18 = tpu.memref_slice %arg2[%dma_start3A_16, %dma_start3A_17] : memref<10000x128xf32, #tpu.memory_space<hbm>> -> memref<10000x128xf32, #tpu.memory_space<hbm>>
    tpu.enqueue_indirect_dma source(%dma_start3A_18 : memref<10000x128xf32, #tpu.memory_space<hbm>>) target(%arg9 : memref<128x128xf32, #tpu.memory_space<vmem>>) offsets(%dma_start3A_15 : memref<128xi32, #tpu.memory_space<vmem>>) semaphore(%arg12 : memref<!tpu.dma_semaphore, #tpu.memory_space<semaphore_mem>>)
    %dma_start3A_19 = arith.constant 1 : i32
    %dma_start3A_20 = arith.constant 0 : i32
    %dma_start3A_21 = tpu.memref_slice %arg7[%dma_start3A_19, %dma_start3A_20] : memref<40x128xi32, #tpu.memory_space<vmem>> -> memref<1x128xi32, #tpu.memory_space<vmem>>
    %dma_start3A_22 = tpu.memref_squeeze %dma_start3A_21 : memref<1x128xi32, #tpu.memory_space<vmem>> -> memref<128xi32, #tpu.memory_space<vmem>>
    %dma_start3A_23 = arith.constant 0 : i32
    %dma_start3A_24 = arith.constant 0 : i32
    %dma_start3A_25 = tpu.memref_slice %arg2[%dma_start3A_23, %dma_start3A_24] : memref<10000x128xf32, #tpu.memory_space<hbm>> -> memref<10000x128xf32, #tpu.memory_space<hbm>>
    tpu.enqueue_indirect_dma source(%dma_start3A_25 : memref<10000x128xf32, #tpu.memory_space<hbm>>) target(%arg10 : memref<128x128xf32, #tpu.memory_space<vmem>>) offsets(%dma_start3A_22 : memref<128xi32, #tpu.memory_space<vmem>>) semaphore(%arg13 : memref<!tpu.dma_semaphore, #tpu.memory_space<semaphore_mem>>)
    %scan3A = arith.constant 0 : i32
    %scan3A_26 = arith.constant 20 : i32
    %scan3A_27 = arith.addi %scan3A, %scan3A_26 : i32
    %scan3A_28 = arith.constant 1 : i32
    scf.for %scan3A_54 = %scan3A to %scan3A_27 step %scan3A_28  : i32 {
      %mul3A_55 = arith.constant 2 : i32
      %mul3A_56 = arith.muli %scan3A_54, %mul3A_55 : i32
      %add3A_57 = arith.constant 0 : i32
      %add3A_58 = arith.addi %add3A_57, %mul3A_56 : i32
      %dma_wait3A = arith.constant 0 : i32
      %dma_wait3A_59 = arith.constant 0 : i32
      %dma_wait3A_60 = tpu.memref_slice %arg2[%dma_wait3A, %dma_wait3A_59] : memref<10000x128xf32, #tpu.memory_space<hbm>> -> memref<128x128xf32, #tpu.memory_space<hbm>>
      %dma_wait3A_61 = arith.constant 0 : i32
      %dma_wait3A_62 = arith.constant 0 : i32
      %dma_wait3A_63 = tpu.memref_slice %arg2[%dma_wait3A_61, %dma_wait3A_62] : memref<10000x128xf32, #tpu.memory_space<hbm>> -> memref<128x128xf32, #tpu.memory_space<hbm>>
      tpu.wait_dma2 semaphore(%arg12 : memref<!tpu.dma_semaphore, #tpu.memory_space<semaphore_mem>>) src(%dma_wait3A_63 : memref<128x128xf32, #tpu.memory_space<hbm>>) dst(%arg9 : memref<128x128xf32, #tpu.memory_space<vmem>>)
      "tpu.region"() ({
        %run_scoped3A = tpu.sem_alloc : memref<!tpu.dma_semaphore, #tpu.memory_space<semaphore_mem>>
        %dma_start3A_83 = arith.constant 0 : i32
        %dma_start3A_84 = tpu.memref_slice %arg8[%add3A_58, %dma_start3A_83] : memref<40x128xi32, #tpu.memory_space<vmem>> -> memref<1x128xi32, #tpu.memory_space<vmem>>
        %dma_start3A_85 = tpu.memref_squeeze %dma_start3A_84 : memref<1x128xi32, #tpu.memory_space<vmem>> -> memref<128xi32, #tpu.memory_space<vmem>>
        %dma_start3A_86 = arith.constant 0 : i32
        %dma_start3A_87 = arith.constant 0 : i32
        %dma_start3A_88 = tpu.memref_slice %arg11[%dma_start3A_86, %dma_start3A_87] : memref<10112x128xf32, #tpu.memory_space<vmem_shared>> -> memref<10112x128xf32, #tpu.memory_space<vmem_shared>>
        tpu.enqueue_indirect_dma source(%arg9 : memref<128x128xf32, #tpu.memory_space<vmem>>) target(%dma_start3A_88 : memref<10112x128xf32, #tpu.memory_space<vmem_shared>>) offsets(%dma_start3A_85 : memref<128xi32, #tpu.memory_space<vmem>>) semaphore(%run_scoped3A : memref<!tpu.dma_semaphore, #tpu.memory_space<semaphore_mem>>) {add = true}
        %dma_wait3A_89 = arith.constant 0 : i32
        %dma_wait3A_90 = tpu.memref_slice %arg8[%add3A_58, %dma_wait3A_89] : memref<40x128xi32, #tpu.memory_space<vmem>> -> memref<1x128xi32, #tpu.memory_space<vmem>>
        %dma_wait3A_91 = tpu.memref_squeeze %dma_wait3A_90 : memref<1x128xi32, #tpu.memory_space<vmem>> -> memref<128xi32, #tpu.memory_space<vmem>>
        %dma_wait3A_92 = arith.constant 0 : i32
        %dma_wait3A_93 = arith.constant 0 : i32
        %dma_wait3A_94 = tpu.memref_slice %arg11[%dma_wait3A_92, %dma_wait3A_93] : memref<10112x128xf32, #tpu.memory_space<vmem_shared>> -> memref<10112x128xf32, #tpu.memory_space<vmem_shared>>
        tpu.wait_indirect_dma semaphore(%run_scoped3A : memref<!tpu.dma_semaphore, #tpu.memory_space<semaphore_mem>>) src(%arg9 : memref<128x128xf32, #tpu.memory_space<vmem>>) dst(%dma_wait3A_94 : memref<10112x128xf32, #tpu.memory_space<vmem_shared>>)
        tpu.yield
      }) : () -> ()
      %add3A_64 = arith.constant 2 : i32
      %add3A_65 = arith.addi %add3A_58, %add3A_64 : i32
      %lt3A = arith.constant 40 : i32
      %lt3A_66 = arith.cmpi slt, %add3A_65, %lt3A : i32
      %convert_element_type3A = arith.extui %lt3A_66 : i1 to i32
      %cond3A = arith.constant 0 : i32
      %cond3A_67 = arith.cmpi ne, %convert_element_type3A, %cond3A : i32
      scf.if %cond3A_67 {
        %add3A_83 = arith.constant 2 : i32
        %add3A_84 = arith.addi %add3A_58, %add3A_83 : i32
        %dma_start3A_85 = arith.constant 0 : i32
        %dma_start3A_86 = tpu.memref_slice %arg7[%add3A_84, %dma_start3A_85] : memref<40x128xi32, #tpu.memory_space<vmem>> -> memref<1x128xi32, #tpu.memory_space<vmem>>
        %dma_start3A_87 = tpu.memref_squeeze %dma_start3A_86 : memref<1x128xi32, #tpu.memory_space<vmem>> -> memref<128xi32, #tpu.memory_space<vmem>>
        %dma_start3A_88 = arith.constant 0 : i32
        %dma_start3A_89 = arith.constant 0 : i32
        %dma_start3A_90 = tpu.memref_slice %arg2[%dma_start3A_88, %dma_start3A_89] : memref<10000x128xf32, #tpu.memory_space<hbm>> -> memref<10000x128xf32, #tpu.memory_space<hbm>>
        tpu.enqueue_indirect_dma source(%dma_start3A_90 : memref<10000x128xf32, #tpu.memory_space<hbm>>) target(%arg9 : memref<128x128xf32, #tpu.memory_space<vmem>>) offsets(%dma_start3A_87 : memref<128xi32, #tpu.memory_space<vmem>>) semaphore(%arg12 : memref<!tpu.dma_semaphore, #tpu.memory_space<semaphore_mem>>)
      } else {
      }
      %dma_wait3A_68 = arith.constant 0 : i32
      %dma_wait3A_69 = arith.constant 0 : i32
      %dma_wait3A_70 = tpu.memref_slice %arg2[%dma_wait3A_68, %dma_wait3A_69] : memref<10000x128xf32, #tpu.memory_space<hbm>> -> memref<128x128xf32, #tpu.memory_space<hbm>>
      %dma_wait3A_71 = arith.constant 0 : i32
      %dma_wait3A_72 = arith.constant 0 : i32
      %dma_wait3A_73 = tpu.memref_slice %arg2[%dma_wait3A_71, %dma_wait3A_72] : memref<10000x128xf32, #tpu.memory_space<hbm>> -> memref<128x128xf32, #tpu.memory_space<hbm>>
      tpu.wait_dma2 semaphore(%arg13 : memref<!tpu.dma_semaphore, #tpu.memory_space<semaphore_mem>>) src(%dma_wait3A_73 : memref<128x128xf32, #tpu.memory_space<hbm>>) dst(%arg10 : memref<128x128xf32, #tpu.memory_space<vmem>>)
      %add3A_74 = arith.constant 1 : i32
      %add3A_75 = arith.addi %add3A_58, %add3A_74 : i32
      "tpu.region"() ({
        %run_scoped3A = tpu.sem_alloc : memref<!tpu.dma_semaphore, #tpu.memory_space<semaphore_mem>>
        %dma_start3A_83 = arith.constant 0 : i32
        %dma_start3A_84 = tpu.memref_slice %arg8[%add3A_75, %dma_start3A_83] : memref<40x128xi32, #tpu.memory_space<vmem>> -> memref<1x128xi32, #tpu.memory_space<vmem>>
        %dma_start3A_85 = tpu.memref_squeeze %dma_start3A_84 : memref<1x128xi32, #tpu.memory_space<vmem>> -> memref<128xi32, #tpu.memory_space<vmem>>
        %dma_start3A_86 = arith.constant 0 : i32
        %dma_start3A_87 = arith.constant 0 : i32
        %dma_start3A_88 = tpu.memref_slice %arg11[%dma_start3A_86, %dma_start3A_87] : memref<10112x128xf32, #tpu.memory_space<vmem_shared>> -> memref<10112x128xf32, #tpu.memory_space<vmem_shared>>
        tpu.enqueue_indirect_dma source(%arg10 : memref<128x128xf32, #tpu.memory_space<vmem>>) target(%dma_start3A_88 : memref<10112x128xf32, #tpu.memory_space<vmem_shared>>) offsets(%dma_start3A_85 : memref<128xi32, #tpu.memory_space<vmem>>) semaphore(%run_scoped3A : memref<!tpu.dma_semaphore, #tpu.memory_space<semaphore_mem>>) {add = true}
        %dma_wait3A_89 = arith.constant 0 : i32
        %dma_wait3A_90 = tpu.memref_slice %arg8[%add3A_75, %dma_wait3A_89] : memref<40x128xi32, #tpu.memory_space<vmem>> -> memref<1x128xi32, #tpu.memory_space<vmem>>
        %dma_wait3A_91 = tpu.memref_squeeze %dma_wait3A_90 : memref<1x128xi32, #tpu.memory_space<vmem>> -> memref<128xi32, #tpu.memory_space<vmem>>
        %dma_wait3A_92 = arith.constant 0 : i32
        %dma_wait3A_93 = arith.constant 0 : i32
        %dma_wait3A_94 = tpu.memref_slice %arg11[%dma_wait3A_92, %dma_wait3A_93] : memref<10112x128xf32, #tpu.memory_space<vmem_shared>> -> memref<10112x128xf32, #tpu.memory_space<vmem_shared>>
        tpu.wait_indirect_dma semaphore(%run_scoped3A : memref<!tpu.dma_semaphore, #tpu.memory_space<semaphore_mem>>) src(%arg10 : memref<128x128xf32, #tpu.memory_space<vmem>>) dst(%dma_wait3A_94 : memref<10112x128xf32, #tpu.memory_space<vmem_shared>>)
        tpu.yield
      }) : () -> ()
      %add3A_76 = arith.constant 3 : i32
      %add3A_77 = arith.addi %add3A_58, %add3A_76 : i32
      %lt3A_78 = arith.constant 40 : i32
      %lt3A_79 = arith.cmpi slt, %add3A_77, %lt3A_78 : i32
      %convert_element_type3A_80 = arith.extui %lt3A_79 : i1 to i32
      %cond3A_81 = arith.constant 0 : i32
      %cond3A_82 = arith.cmpi ne, %convert_element_type3A_80, %cond3A_81 : i32
      scf.if %cond3A_82 {
        %add3A_83 = arith.constant 3 : i32
        %add3A_84 = arith.addi %add3A_58, %add3A_83 : i32
        %dma_start3A_85 = arith.constant 0 : i32
        %dma_start3A_86 = tpu.memref_slice %arg7[%add3A_84, %dma_start3A_85] : memref<40x128xi32, #tpu.memory_space<vmem>> -> memref<1x128xi32, #tpu.memory_space<vmem>>
        %dma_start3A_87 = tpu.memref_squeeze %dma_start3A_86 : memref<1x128xi32, #tpu.memory_space<vmem>> -> memref<128xi32, #tpu.memory_space<vmem>>
        %dma_start3A_88 = arith.constant 0 : i32
        %dma_start3A_89 = arith.constant 0 : i32
        %dma_start3A_90 = tpu.memref_slice %arg2[%dma_start3A_88, %dma_start3A_89] : memref<10000x128xf32, #tpu.memory_space<hbm>> -> memref<10000x128xf32, #tpu.memory_space<hbm>>
        tpu.enqueue_indirect_dma source(%dma_start3A_90 : memref<10000x128xf32, #tpu.memory_space<hbm>>) target(%arg10 : memref<128x128xf32, #tpu.memory_space<vmem>>) offsets(%dma_start3A_87 : memref<128xi32, #tpu.memory_space<vmem>>) semaphore(%arg13 : memref<!tpu.dma_semaphore, #tpu.memory_space<semaphore_mem>>)
      } else {
      }
    }
    %scan3A_29 = arith.constant 20 : i32
    "tpu.region"() ({
      %run_scoped3A = tpu.sem_alloc : memref<!tpu.dma_semaphore, #tpu.memory_space<semaphore_mem>>
      %dma_start3A_54 = arith.constant 40 : i32
      %dma_start3A_55 = arith.constant 0 : i32
      %dma_start3A_56 = tpu.memref_slice %arg3[%add3A, %dma_start3A_54, %dma_start3A_55] : memref<32x80x128xi32, #tpu.memory_space<hbm>> -> memref<1x40x128xi32, #tpu.memory_space<hbm>>
      %dma_start3A_57 = tpu.memref_squeeze %dma_start3A_56 : memref<1x40x128xi32, #tpu.memory_space<hbm>> -> memref<40x128xi32, #tpu.memory_space<hbm>>
      %dma_start3A_58 = arith.constant 40 : i32
      %dma_start3A_59 = arith.constant 0 : i32
      %dma_start3A_60 = tpu.memref_slice %arg3[%add3A, %dma_start3A_58, %dma_start3A_59] : memref<32x80x128xi32, #tpu.memory_space<hbm>> -> memref<1x40x128xi32, #tpu.memory_space<hbm>>
      %dma_start3A_61 = tpu.memref_squeeze %dma_start3A_60 : memref<1x40x128xi32, #tpu.memory_space<hbm>> -> memref<40x128xi32, #tpu.memory_space<hbm>>
      tpu.enqueue_dma source(%dma_start3A_61 : memref<40x128xi32, #tpu.memory_space<hbm>>) target(%arg7 : memref<40x128xi32, #tpu.memory_space<vmem>>) target_semaphore(%run_scoped3A : memref<!tpu.dma_semaphore, #tpu.memory_space<semaphore_mem>>)
      %dma_wait3A = arith.constant 40 : i32
      %dma_wait3A_62 = arith.constant 0 : i32
      %dma_wait3A_63 = tpu.memref_slice %arg3[%add3A, %dma_wait3A, %dma_wait3A_62] : memref<32x80x128xi32, #tpu.memory_space<hbm>> -> memref<1x40x128xi32, #tpu.memory_space<hbm>>
      %dma_wait3A_64 = tpu.memref_squeeze %dma_wait3A_63 : memref<1x40x128xi32, #tpu.memory_space<hbm>> -> memref<40x128xi32, #tpu.memory_space<hbm>>
      %dma_wait3A_65 = arith.constant 40 : i32
      %dma_wait3A_66 = arith.constant 0 : i32
      %dma_wait3A_67 = tpu.memref_slice %arg3[%add3A, %dma_wait3A_65, %dma_wait3A_66] : memref<32x80x128xi32, #tpu.memory_space<hbm>> -> memref<1x40x128xi32, #tpu.memory_space<hbm>>
      %dma_wait3A_68 = tpu.memref_squeeze %dma_wait3A_67 : memref<1x40x128xi32, #tpu.memory_space<hbm>> -> memref<40x128xi32, #tpu.memory_space<hbm>>
      tpu.wait_dma2 semaphore(%run_scoped3A : memref<!tpu.dma_semaphore, #tpu.memory_space<semaphore_mem>>) src(%dma_wait3A_68 : memref<40x128xi32, #tpu.memory_space<hbm>>) dst(%arg7 : memref<40x128xi32, #tpu.memory_space<vmem>>)
      tpu.yield
    }) : () -> ()
    "tpu.region"() ({
      %run_scoped3A = tpu.sem_alloc : memref<!tpu.dma_semaphore, #tpu.memory_space<semaphore_mem>>
      %dma_start3A_54 = arith.constant 40 : i32
      %dma_start3A_55 = arith.constant 0 : i32
      %dma_start3A_56 = tpu.memref_slice %arg4[%add3A, %dma_start3A_54, %dma_start3A_55] : memref<32x80x128xi32, #tpu.memory_space<hbm>> -> memref<1x40x128xi32, #tpu.memory_space<hbm>>
      %dma_start3A_57 = tpu.memref_squeeze %dma_start3A_56 : memref<1x40x128xi32, #tpu.memory_space<hbm>> -> memref<40x128xi32, #tpu.memory_space<hbm>>
      %dma_start3A_58 = arith.constant 40 : i32
      %dma_start3A_59 = arith.constant 0 : i32
      %dma_start3A_60 = tpu.memref_slice %arg4[%add3A, %dma_start3A_58, %dma_start3A_59] : memref<32x80x128xi32, #tpu.memory_space<hbm>> -> memref<1x40x128xi32, #tpu.memory_space<hbm>>
      %dma_start3A_61 = tpu.memref_squeeze %dma_start3A_60 : memref<1x40x128xi32, #tpu.memory_space<hbm>> -> memref<40x128xi32, #tpu.memory_space<hbm>>
      tpu.enqueue_dma source(%dma_start3A_61 : memref<40x128xi32, #tpu.memory_space<hbm>>) target(%arg8 : memref<40x128xi32, #tpu.memory_space<vmem>>) target_semaphore(%run_scoped3A : memref<!tpu.dma_semaphore, #tpu.memory_space<semaphore_mem>>)
      %dma_wait3A = arith.constant 40 : i32
      %dma_wait3A_62 = arith.constant 0 : i32
      %dma_wait3A_63 = tpu.memref_slice %arg4[%add3A, %dma_wait3A, %dma_wait3A_62] : memref<32x80x128xi32, #tpu.memory_space<hbm>> -> memref<1x40x128xi32, #tpu.memory_space<hbm>>
      %dma_wait3A_64 = tpu.memref_squeeze %dma_wait3A_63 : memref<1x40x128xi32, #tpu.memory_space<hbm>> -> memref<40x128xi32, #tpu.memory_space<hbm>>
      %dma_wait3A_65 = arith.constant 40 : i32
      %dma_wait3A_66 = arith.constant 0 : i32
      %dma_wait3A_67 = tpu.memref_slice %arg4[%add3A, %dma_wait3A_65, %dma_wait3A_66] : memref<32x80x128xi32, #tpu.memory_space<hbm>> -> memref<1x40x128xi32, #tpu.memory_space<hbm>>
      %dma_wait3A_68 = tpu.memref_squeeze %dma_wait3A_67 : memref<1x40x128xi32, #tpu.memory_space<hbm>> -> memref<40x128xi32, #tpu.memory_space<hbm>>
      tpu.wait_dma2 semaphore(%run_scoped3A : memref<!tpu.dma_semaphore, #tpu.memory_space<semaphore_mem>>) src(%dma_wait3A_68 : memref<40x128xi32, #tpu.memory_space<hbm>>) dst(%arg8 : memref<40x128xi32, #tpu.memory_space<vmem>>)
      tpu.yield
    }) : () -> ()
    %dma_start3A_30 = arith.constant 0 : i32
    %dma_start3A_31 = arith.constant 0 : i32
    %dma_start3A_32 = tpu.memref_slice %arg7[%dma_start3A_30, %dma_start3A_31] : memref<40x128xi32, #tpu.memory_space<vmem>> -> memref<1x128xi32, #tpu.memory_space<vmem>>
    %dma_start3A_33 = tpu.memref_squeeze %dma_start3A_32 : memref<1x128xi32, #tpu.memory_space<vmem>> -> memref<128xi32, #tpu.memory_space<vmem>>
    %dma_start3A_34 = arith.constant 0 : i32
    %dma_start3A_35 = arith.constant 0 : i32
    %dma_start3A_36 = tpu.memref_slice %arg2[%dma_start3A_34, %dma_start3A_35] : memref<10000x128xf32, #tpu.memory_space<hbm>> -> memref<10000x128xf32, #tpu.memory_space<hbm>>
    tpu.enqueue_indirect_dma source(%dma_start3A_36 : memref<10000x128xf32, #tpu.memory_space<hbm>>) target(%arg9 : memref<128x128xf32, #tpu.memory_space<vmem>>) offsets(%dma_start3A_33 : memref<128xi32, #tpu.memory_space<vmem>>) semaphore(%arg12 : memref<!tpu.dma_semaphore, #tpu.memory_space<semaphore_mem>>)
    %dma_start3A_37 = arith.constant 1 : i32
    %dma_start3A_38 = arith.constant 0 : i32
    %dma_start3A_39 = tpu.memref_slice %arg7[%dma_start3A_37, %dma_start3A_38] : memref<40x128xi32, #tpu.memory_space<vmem>> -> memref<1x128xi32, #tpu.memory_space<vmem>>
    %dma_start3A_40 = tpu.memref_squeeze %dma_start3A_39 : memref<1x128xi32, #tpu.memory_space<vmem>> -> memref<128xi32, #tpu.memory_space<vmem>>
    %dma_start3A_41 = arith.constant 0 : i32
    %dma_start3A_42 = arith.constant 0 : i32
    %dma_start3A_43 = tpu.memref_slice %arg2[%dma_start3A_41, %dma_start3A_42] : memref<10000x128xf32, #tpu.memory_space<hbm>> -> memref<10000x128xf32, #tpu.memory_space<hbm>>
    tpu.enqueue_indirect_dma source(%dma_start3A_43 : memref<10000x128xf32, #tpu.memory_space<hbm>>) target(%arg10 : memref<128x128xf32, #tpu.memory_space<vmem>>) offsets(%dma_start3A_40 : memref<128xi32, #tpu.memory_space<vmem>>) semaphore(%arg13 : memref<!tpu.dma_semaphore, #tpu.memory_space<semaphore_mem>>)
    %scan3A_44 = arith.constant 0 : i32
    %scan3A_45 = arith.constant 20 : i32
    %scan3A_46 = arith.addi %scan3A_44, %scan3A_45 : i32
    %scan3A_47 = arith.constant 1 : i32
    scf.for %scan3A_54 = %scan3A_44 to %scan3A_46 step %scan3A_47  : i32 {
      %mul3A_55 = arith.constant 2 : i32
      %mul3A_56 = arith.muli %scan3A_54, %mul3A_55 : i32
      %add3A_57 = arith.constant 0 : i32
      %add3A_58 = arith.addi %add3A_57, %mul3A_56 : i32
      %dma_wait3A = arith.constant 0 : i32
      %dma_wait3A_59 = arith.constant 0 : i32
      %dma_wait3A_60 = tpu.memref_slice %arg2[%dma_wait3A, %dma_wait3A_59] : memref<10000x128xf32, #tpu.memory_space<hbm>> -> memref<128x128xf32, #tpu.memory_space<hbm>>
      %dma_wait3A_61 = arith.constant 0 : i32
      %dma_wait3A_62 = arith.constant 0 : i32
      %dma_wait3A_63 = tpu.memref_slice %arg2[%dma_wait3A_61, %dma_wait3A_62] : memref<10000x128xf32, #tpu.memory_space<hbm>> -> memref<128x128xf32, #tpu.memory_space<hbm>>
      tpu.wait_dma2 semaphore(%arg12 : memref<!tpu.dma_semaphore, #tpu.memory_space<semaphore_mem>>) src(%dma_wait3A_63 : memref<128x128xf32, #tpu.memory_space<hbm>>) dst(%arg9 : memref<128x128xf32, #tpu.memory_space<vmem>>)
      "tpu.region"() ({
        %run_scoped3A = tpu.sem_alloc : memref<!tpu.dma_semaphore, #tpu.memory_space<semaphore_mem>>
        %dma_start3A_83 = arith.constant 0 : i32
        %dma_start3A_84 = tpu.memref_slice %arg8[%add3A_58, %dma_start3A_83] : memref<40x128xi32, #tpu.memory_space<vmem>> -> memref<1x128xi32, #tpu.memory_space<vmem>>
        %dma_start3A_85 = tpu.memref_squeeze %dma_start3A_84 : memref<1x128xi32, #tpu.memory_space<vmem>> -> memref<128xi32, #tpu.memory_space<vmem>>
        %dma_start3A_86 = arith.constant 0 : i32
        %dma_start3A_87 = arith.constant 0 : i32
        %dma_start3A_88 = tpu.memref_slice %arg11[%dma_start3A_86, %dma_start3A_87] : memref<10112x128xf32, #tpu.memory_space<vmem_shared>> -> memref<10112x128xf32, #tpu.memory_space<vmem_shared>>
        tpu.enqueue_indirect_dma source(%arg9 : memref<128x128xf32, #tpu.memory_space<vmem>>) target(%dma_start3A_88 : memref<10112x128xf32, #tpu.memory_space<vmem_shared>>) offsets(%dma_start3A_85 : memref<128xi32, #tpu.memory_space<vmem>>) semaphore(%run_scoped3A : memref<!tpu.dma_semaphore, #tpu.memory_space<semaphore_mem>>) {add = true}
        %dma_wait3A_89 = arith.constant 0 : i32
        %dma_wait3A_90 = tpu.memref_slice %arg8[%add3A_58, %dma_wait3A_89] : memref<40x128xi32, #tpu.memory_space<vmem>> -> memref<1x128xi32, #tpu.memory_space<vmem>>
        %dma_wait3A_91 = tpu.memref_squeeze %dma_wait3A_90 : memref<1x128xi32, #tpu.memory_space<vmem>> -> memref<128xi32, #tpu.memory_space<vmem>>
        %dma_wait3A_92 = arith.constant 0 : i32
        %dma_wait3A_93 = arith.constant 0 : i32
        %dma_wait3A_94 = tpu.memref_slice %arg11[%dma_wait3A_92, %dma_wait3A_93] : memref<10112x128xf32, #tpu.memory_space<vmem_shared>> -> memref<10112x128xf32, #tpu.memory_space<vmem_shared>>
        tpu.wait_indirect_dma semaphore(%run_scoped3A : memref<!tpu.dma_semaphore, #tpu.memory_space<semaphore_mem>>) src(%arg9 : memref<128x128xf32, #tpu.memory_space<vmem>>) dst(%dma_wait3A_94 : memref<10112x128xf32, #tpu.memory_space<vmem_shared>>)
        tpu.yield
      }) : () -> ()
      %add3A_64 = arith.constant 2 : i32
      %add3A_65 = arith.addi %add3A_58, %add3A_64 : i32
      %lt3A = arith.constant 40 : i32
      %lt3A_66 = arith.cmpi slt, %add3A_65, %lt3A : i32
      %convert_element_type3A = arith.extui %lt3A_66 : i1 to i32
      %cond3A = arith.constant 0 : i32
      %cond3A_67 = arith.cmpi ne, %convert_element_type3A, %cond3A : i32
      scf.if %cond3A_67 {
        %add3A_83 = arith.constant 2 : i32
        %add3A_84 = arith.addi %add3A_58, %add3A_83 : i32
        %dma_start3A_85 = arith.constant 0 : i32
        %dma_start3A_86 = tpu.memref_slice %arg7[%add3A_84, %dma_start3A_85] : memref<40x128xi32, #tpu.memory_space<vmem>> -> memref<1x128xi32, #tpu.memory_space<vmem>>
        %dma_start3A_87 = tpu.memref_squeeze %dma_start3A_86 : memref<1x128xi32, #tpu.memory_space<vmem>> -> memref<128xi32, #tpu.memory_space<vmem>>
        %dma_start3A_88 = arith.constant 0 : i32
        %dma_start3A_89 = arith.constant 0 : i32
        %dma_start3A_90 = tpu.memref_slice %arg2[%dma_start3A_88, %dma_start3A_89] : memref<10000x128xf32, #tpu.memory_space<hbm>> -> memref<10000x128xf32, #tpu.memory_space<hbm>>
        tpu.enqueue_indirect_dma source(%dma_start3A_90 : memref<10000x128xf32, #tpu.memory_space<hbm>>) target(%arg9 : memref<128x128xf32, #tpu.memory_space<vmem>>) offsets(%dma_start3A_87 : memref<128xi32, #tpu.memory_space<vmem>>) semaphore(%arg12 : memref<!tpu.dma_semaphore, #tpu.memory_space<semaphore_mem>>)
      } else {
      }
      %dma_wait3A_68 = arith.constant 0 : i32
      %dma_wait3A_69 = arith.constant 0 : i32
      %dma_wait3A_70 = tpu.memref_slice %arg2[%dma_wait3A_68, %dma_wait3A_69] : memref<10000x128xf32, #tpu.memory_space<hbm>> -> memref<128x128xf32, #tpu.memory_space<hbm>>
      %dma_wait3A_71 = arith.constant 0 : i32
      %dma_wait3A_72 = arith.constant 0 : i32
      %dma_wait3A_73 = tpu.memref_slice %arg2[%dma_wait3A_71, %dma_wait3A_72] : memref<10000x128xf32, #tpu.memory_space<hbm>> -> memref<128x128xf32, #tpu.memory_space<hbm>>
      tpu.wait_dma2 semaphore(%arg13 : memref<!tpu.dma_semaphore, #tpu.memory_space<semaphore_mem>>) src(%dma_wait3A_73 : memref<128x128xf32, #tpu.memory_space<hbm>>) dst(%arg10 : memref<128x128xf32, #tpu.memory_space<vmem>>)
      %add3A_74 = arith.constant 1 : i32
      %add3A_75 = arith.addi %add3A_58, %add3A_74 : i32
      "tpu.region"() ({
        %run_scoped3A = tpu.sem_alloc : memref<!tpu.dma_semaphore, #tpu.memory_space<semaphore_mem>>
        %dma_start3A_83 = arith.constant 0 : i32
        %dma_start3A_84 = tpu.memref_slice %arg8[%add3A_75, %dma_start3A_83] : memref<40x128xi32, #tpu.memory_space<vmem>> -> memref<1x128xi32, #tpu.memory_space<vmem>>
        %dma_start3A_85 = tpu.memref_squeeze %dma_start3A_84 : memref<1x128xi32, #tpu.memory_space<vmem>> -> memref<128xi32, #tpu.memory_space<vmem>>
        %dma_start3A_86 = arith.constant 0 : i32
        %dma_start3A_87 = arith.constant 0 : i32
        %dma_start3A_88 = tpu.memref_slice %arg11[%dma_start3A_86, %dma_start3A_87] : memref<10112x128xf32, #tpu.memory_space<vmem_shared>> -> memref<10112x128xf32, #tpu.memory_space<vmem_shared>>
        tpu.enqueue_indirect_dma source(%arg10 : memref<128x128xf32, #tpu.memory_space<vmem>>) target(%dma_start3A_88 : memref<10112x128xf32, #tpu.memory_space<vmem_shared>>) offsets(%dma_start3A_85 : memref<128xi32, #tpu.memory_space<vmem>>) semaphore(%run_scoped3A : memref<!tpu.dma_semaphore, #tpu.memory_space<semaphore_mem>>) {add = true}
        %dma_wait3A_89 = arith.constant 0 : i32
        %dma_wait3A_90 = tpu.memref_slice %arg8[%add3A_75, %dma_wait3A_89] : memref<40x128xi32, #tpu.memory_space<vmem>> -> memref<1x128xi32, #tpu.memory_space<vmem>>
        %dma_wait3A_91 = tpu.memref_squeeze %dma_wait3A_90 : memref<1x128xi32, #tpu.memory_space<vmem>> -> memref<128xi32, #tpu.memory_space<vmem>>
        %dma_wait3A_92 = arith.constant 0 : i32
        %dma_wait3A_93 = arith.constant 0 : i32
        %dma_wait3A_94 = tpu.memref_slice %arg11[%dma_wait3A_92, %dma_wait3A_93] : memref<10112x128xf32, #tpu.memory_space<vmem_shared>> -> memref<10112x128xf32, #tpu.memory_space<vmem_shared>>
        tpu.wait_indirect_dma semaphore(%run_scoped3A : memref<!tpu.dma_semaphore, #tpu.memory_space<semaphore_mem>>) src(%arg10 : memref<128x128xf32, #tpu.memory_space<vmem>>) dst(%dma_wait3A_94 : memref<10112x128xf32, #tpu.memory_space<vmem_shared>>)
        tpu.yield
      }) : () -> ()
      %add3A_76 = arith.constant 3 : i32
      %add3A_77 = arith.addi %add3A_58, %add3A_76 : i32
      %lt3A_78 = arith.constant 40 : i32
      %lt3A_79 = arith.cmpi slt, %add3A_77, %lt3A_78 : i32
      %convert_element_type3A_80 = arith.extui %lt3A_79 : i1 to i32
      %cond3A_81 = arith.constant 0 : i32
      %cond3A_82 = arith.cmpi ne, %convert_element_type3A_80, %cond3A_81 : i32
      scf.if %cond3A_82 {
        %add3A_83 = arith.constant 3 : i32
        %add3A_84 = arith.addi %add3A_58, %add3A_83 : i32
        %dma_start3A_85 = arith.constant 0 : i32
        %dma_start3A_86 = tpu.memref_slice %arg7[%add3A_84, %dma_start3A_85] : memref<40x128xi32, #tpu.memory_space<vmem>> -> memref<1x128xi32, #tpu.memory_space<vmem>>
        %dma_start3A_87 = tpu.memref_squeeze %dma_start3A_86 : memref<1x128xi32, #tpu.memory_space<vmem>> -> memref<128xi32, #tpu.memory_space<vmem>>
        %dma_start3A_88 = arith.constant 0 : i32
        %dma_start3A_89 = arith.constant 0 : i32
        %dma_start3A_90 = tpu.memref_slice %arg2[%dma_start3A_88, %dma_start3A_89] : memref<10000x128xf32, #tpu.memory_space<hbm>> -> memref<10000x128xf32, #tpu.memory_space<hbm>>
        tpu.enqueue_indirect_dma source(%dma_start3A_90 : memref<10000x128xf32, #tpu.memory_space<hbm>>) target(%arg10 : memref<128x128xf32, #tpu.memory_space<vmem>>) offsets(%dma_start3A_87 : memref<128xi32, #tpu.memory_space<vmem>>) semaphore(%arg13 : memref<!tpu.dma_semaphore, #tpu.memory_space<semaphore_mem>>)
      } else {
      }
    }
    %scan3A_48 = arith.constant 20 : i32
    %barrier3A_49 = arith.constant 0 : index
    tpu.barrier barrier_id(%barrier3A_49)
    %mul3A_50 = arith.constant 632 : i32
    %mul3A_51 = arith.muli %arg1, %mul3A_50 : i32
    %mul3A_52 = arith.constant 632 : i32
    %mul3A_53 = arith.muli %arg1, %mul3A_52 : i32
    "tpu.region"() ({
      %run_scoped3A = tpu.sem_alloc : memref<!tpu.dma_semaphore, #tpu.memory_space<semaphore_mem>>
      %dma_start3A_54 = arith.constant 0 : i32
      %dma_start3A_55 = tpu.memref_slice %arg6[%arg0, %mul3A_53, %dma_start3A_54] : memref<2x10112x128xf32, #tpu.memory_space<hbm>> -> memref<1x632x128xf32, #tpu.memory_space<hbm>>
      %dma_start3A_56 = tpu.memref_squeeze %dma_start3A_55 : memref<1x632x128xf32, #tpu.memory_space<hbm>> -> memref<632x128xf32, #tpu.memory_space<hbm>>
      %dma_start3A_57 = arith.constant 0 : i32
      %dma_start3A_58 = tpu.memref_slice %arg11[%mul3A_51, %dma_start3A_57] : memref<10112x128xf32, #tpu.memory_space<vmem_shared>> -> memref<632x128xf32, #tpu.memory_space<vmem_shared>>
      tpu.enqueue_dma source(%dma_start3A_58 : memref<632x128xf32, #tpu.memory_space<vmem_shared>>) target(%dma_start3A_56 : memref<632x128xf32, #tpu.memory_space<hbm>>) target_semaphore(%run_scoped3A : memref<!tpu.dma_semaphore, #tpu.memory_space<semaphore_mem>>)
      %dma_wait3A = arith.constant 0 : i32
      %dma_wait3A_59 = tpu.memref_slice %arg6[%arg0, %mul3A_53, %dma_wait3A] : memref<2x10112x128xf32, #tpu.memory_space<hbm>> -> memref<1x632x128xf32, #tpu.memory_space<hbm>>
      %dma_wait3A_60 = tpu.memref_squeeze %dma_wait3A_59 : memref<1x632x128xf32, #tpu.memory_space<hbm>> -> memref<632x128xf32, #tpu.memory_space<hbm>>
      %dma_wait3A_61 = arith.constant 0 : i32
      %dma_wait3A_62 = tpu.memref_slice %arg11[%mul3A_51, %dma_wait3A_61] : memref<10112x128xf32, #tpu.memory_space<vmem_shared>> -> memref<632x128xf32, #tpu.memory_space<vmem_shared>>
      tpu.wait_dma2 semaphore(%run_scoped3A : memref<!tpu.dma_semaphore, #tpu.memory_space<semaphore_mem>>) src(%dma_wait3A_62 : memref<632x128xf32, #tpu.memory_space<vmem_shared>>) dst(%dma_wait3A_60 : memref<632x128xf32, #tpu.memory_space<hbm>>)
      tpu.yield
    }) : () -> ()
    return
  }
}

#map = affine_map<(d0, d1) -> (0)>
#map1 = affine_map<(d0, d1) -> (0, 0)>
module attributes {stable_mosaic.version = 14 : i64} {
  func.func @k(%arg0: i32, %arg1: i32, %arg2: memref<10000xf32, #tpu.memory_space<hbm>>, %arg3: memref<32x10000xi32, #tpu.memory_space<hbm>>, %arg4: memref<32x10000xi32, #tpu.memory_space<hbm>>, %arg5: memref<32x10000xf32, #tpu.memory_space<hbm>>, %arg6: memref<10000xf32, #tpu.memory_space<vmem>>, %arg7: memref<10000xi32, #tpu.memory_space<vmem>>, %arg8: memref<10000xi32, #tpu.memory_space<vmem>>, %arg9: memref<10000xf32, #tpu.memory_space<vmem>>) attributes {dimension_semantics = [#tpu.dimension_semantics<core_parallel>, #tpu.dimension_semantics<subcore_parallel>], iteration_bounds = array<i64: 2, 16>, scalar_prefetch = 0 : i64, scratch_operands = 4 : i64, tpu.core_type = #tpu.core_type<sc_vector_subcore>, window_params = [{transform_indices = #map}, {transform_indices = #map1}, {transform_indices = #map1}, {transform_indices = #map1}]} {
    %mul3A = arith.constant 2 : i32
    %mul3A_0 = arith.muli %arg1, %mul3A : i32
    %add3A = arith.addi %mul3A_0, %arg0 : i32
    "tpu.region"() ({
      %run_scoped3A = tpu.sem_alloc : memref<!tpu.dma_semaphore, #tpu.memory_space<semaphore_mem>>
      tpu.enqueue_dma source(%arg2 : memref<10000xf32, #tpu.memory_space<hbm>>) target(%arg6 : memref<10000xf32, #tpu.memory_space<vmem>>) target_semaphore(%run_scoped3A : memref<!tpu.dma_semaphore, #tpu.memory_space<semaphore_mem>>)
      tpu.wait_dma2 semaphore(%run_scoped3A : memref<!tpu.dma_semaphore, #tpu.memory_space<semaphore_mem>>) src(%arg2 : memref<10000xf32, #tpu.memory_space<hbm>>) dst(%arg6 : memref<10000xf32, #tpu.memory_space<vmem>>)
      tpu.yield
    }) : () -> ()
    "tpu.region"() ({
      %run_scoped3A = tpu.sem_alloc : memref<!tpu.dma_semaphore, #tpu.memory_space<semaphore_mem>>
      %dma_start3A = arith.constant 0 : i32
      %dma_start3A_10 = tpu.memref_slice %arg3[%add3A, %dma_start3A] : memref<32x10000xi32, #tpu.memory_space<hbm>> -> memref<1x10000xi32, #tpu.memory_space<hbm>>
      %dma_start3A_11 = tpu.memref_squeeze %dma_start3A_10 : memref<1x10000xi32, #tpu.memory_space<hbm>> -> memref<10000xi32, #tpu.memory_space<hbm>>
      %dma_start3A_12 = arith.constant 0 : i32
      %dma_start3A_13 = tpu.memref_slice %arg3[%add3A, %dma_start3A_12] : memref<32x10000xi32, #tpu.memory_space<hbm>> -> memref<1x10000xi32, #tpu.memory_space<hbm>>
      %dma_start3A_14 = tpu.memref_squeeze %dma_start3A_13 : memref<1x10000xi32, #tpu.memory_space<hbm>> -> memref<10000xi32, #tpu.memory_space<hbm>>
      tpu.enqueue_dma source(%dma_start3A_14 : memref<10000xi32, #tpu.memory_space<hbm>>) target(%arg7 : memref<10000xi32, #tpu.memory_space<vmem>>) target_semaphore(%run_scoped3A : memref<!tpu.dma_semaphore, #tpu.memory_space<semaphore_mem>>)
      %dma_wait3A = arith.constant 0 : i32
      %dma_wait3A_15 = tpu.memref_slice %arg3[%add3A, %dma_wait3A] : memref<32x10000xi32, #tpu.memory_space<hbm>> -> memref<1x10000xi32, #tpu.memory_space<hbm>>
      %dma_wait3A_16 = tpu.memref_squeeze %dma_wait3A_15 : memref<1x10000xi32, #tpu.memory_space<hbm>> -> memref<10000xi32, #tpu.memory_space<hbm>>
      %dma_wait3A_17 = arith.constant 0 : i32
      %dma_wait3A_18 = tpu.memref_slice %arg3[%add3A, %dma_wait3A_17] : memref<32x10000xi32, #tpu.memory_space<hbm>> -> memref<1x10000xi32, #tpu.memory_space<hbm>>
      %dma_wait3A_19 = tpu.memref_squeeze %dma_wait3A_18 : memref<1x10000xi32, #tpu.memory_space<hbm>> -> memref<10000xi32, #tpu.memory_space<hbm>>
      tpu.wait_dma2 semaphore(%run_scoped3A : memref<!tpu.dma_semaphore, #tpu.memory_space<semaphore_mem>>) src(%dma_wait3A_19 : memref<10000xi32, #tpu.memory_space<hbm>>) dst(%arg7 : memref<10000xi32, #tpu.memory_space<vmem>>)
      tpu.yield
    }) : () -> ()
    "tpu.region"() ({
      %run_scoped3A = tpu.sem_alloc : memref<!tpu.dma_semaphore, #tpu.memory_space<semaphore_mem>>
      %dma_start3A = arith.constant 0 : i32
      %dma_start3A_10 = tpu.memref_slice %arg4[%add3A, %dma_start3A] : memref<32x10000xi32, #tpu.memory_space<hbm>> -> memref<1x10000xi32, #tpu.memory_space<hbm>>
      %dma_start3A_11 = tpu.memref_squeeze %dma_start3A_10 : memref<1x10000xi32, #tpu.memory_space<hbm>> -> memref<10000xi32, #tpu.memory_space<hbm>>
      %dma_start3A_12 = arith.constant 0 : i32
      %dma_start3A_13 = tpu.memref_slice %arg4[%add3A, %dma_start3A_12] : memref<32x10000xi32, #tpu.memory_space<hbm>> -> memref<1x10000xi32, #tpu.memory_space<hbm>>
      %dma_start3A_14 = tpu.memref_squeeze %dma_start3A_13 : memref<1x10000xi32, #tpu.memory_space<hbm>> -> memref<10000xi32, #tpu.memory_space<hbm>>
      tpu.enqueue_dma source(%dma_start3A_14 : memref<10000xi32, #tpu.memory_space<hbm>>) target(%arg8 : memref<10000xi32, #tpu.memory_space<vmem>>) target_semaphore(%run_scoped3A : memref<!tpu.dma_semaphore, #tpu.memory_space<semaphore_mem>>)
      %dma_wait3A = arith.constant 0 : i32
      %dma_wait3A_15 = tpu.memref_slice %arg4[%add3A, %dma_wait3A] : memref<32x10000xi32, #tpu.memory_space<hbm>> -> memref<1x10000xi32, #tpu.memory_space<hbm>>
      %dma_wait3A_16 = tpu.memref_squeeze %dma_wait3A_15 : memref<1x10000xi32, #tpu.memory_space<hbm>> -> memref<10000xi32, #tpu.memory_space<hbm>>
      %dma_wait3A_17 = arith.constant 0 : i32
      %dma_wait3A_18 = tpu.memref_slice %arg4[%add3A, %dma_wait3A_17] : memref<32x10000xi32, #tpu.memory_space<hbm>> -> memref<1x10000xi32, #tpu.memory_space<hbm>>
      %dma_wait3A_19 = tpu.memref_squeeze %dma_wait3A_18 : memref<1x10000xi32, #tpu.memory_space<hbm>> -> memref<10000xi32, #tpu.memory_space<hbm>>
      tpu.wait_dma2 semaphore(%run_scoped3A : memref<!tpu.dma_semaphore, #tpu.memory_space<semaphore_mem>>) src(%dma_wait3A_19 : memref<10000xi32, #tpu.memory_space<hbm>>) dst(%arg8 : memref<10000xi32, #tpu.memory_space<vmem>>)
      tpu.yield
    }) : () -> ()
    %scan3A = arith.constant 0 : i32
    %scan3A_1 = arith.constant 625 : i32
    %scan3A_2 = arith.addi %scan3A, %scan3A_1 : i32
    %scan3A_3 = arith.constant 1 : i32
    scf.for %scan3A_10 = %scan3A to %scan3A_2 step %scan3A_3  : i32 {
      %mul3A_11 = arith.constant 16 : i32
      %mul3A_12 = arith.muli %scan3A_10, %mul3A_11 : i32
      %add3A_13 = arith.constant 0 : i32
      %add3A_14 = arith.addi %add3A_13, %mul3A_12 : i32
      %broadcast_in_dim3A = arith.constant 0.000000e+00 : f32
      %broadcast_in_dim3A_15 = vector.broadcast %broadcast_in_dim3A : f32 to vector<16xf32>
      %swap3A = arith.index_cast %add3A_14 : i32 to index
      %swap3A_16 = tpu.vector_load %arg9[%swap3A] {strides = array<i32>} : memref<10000xf32, #tpu.memory_space<vmem>>, vector<16xf32>,
      tpu.vector_store %arg9[%swap3A], %broadcast_in_dim3A_15 {strides = array<i32>} : memref<10000xf32, #tpu.memory_space<vmem>>, vector<16xf32>,
    }
    %scan3A_4 = arith.constant 625 : i32
    %scan3A_5 = arith.constant 0 : i32
    %scan3A_6 = arith.constant 625 : i32
    %scan3A_7 = arith.addi %scan3A_5, %scan3A_6 : i32
    %scan3A_8 = arith.constant 1 : i32
    scf.for %scan3A_10 = %scan3A_5 to %scan3A_7 step %scan3A_8  : i32 {
      %mul3A_11 = arith.constant 16 : i32
      %mul3A_12 = arith.muli %scan3A_10, %mul3A_11 : i32
      %add3A_13 = arith.constant 0 : i32
      %add3A_14 = arith.addi %add3A_13, %mul3A_12 : i32
      %get3A = arith.index_cast %add3A_14 : i32 to index
      %get3A_15 = tpu.vector_load %arg7[%get3A] {strides = array<i32>} : memref<10000xi32, #tpu.memory_space<vmem>>, vector<16xi32>,
      %get3A_16 = arith.index_cast %add3A_14 : i32 to index
      %get3A_17 = tpu.vector_load %arg8[%get3A_16] {strides = array<i32>} : memref<10000xi32, #tpu.memory_space<vmem>>, vector<16xi32>,
      %gather3A = tpu.vector_load_idx %arg6[%get3A_15] : memref<10000xf32, #tpu.memory_space<vmem>>[vector<16xi32>], vector<16xf32>,
      tpu.vector_store_idx %arg9[%get3A_17], %gather3A {add = true} : memref<10000xf32, #tpu.memory_space<vmem>>[vector<16xi32>], vector<16xf32>,
    }
    %scan3A_9 = arith.constant 625 : i32
    "tpu.region"() ({
      %run_scoped3A = tpu.sem_alloc : memref<!tpu.dma_semaphore, #tpu.memory_space<semaphore_mem>>
      %dma_start3A = arith.constant 0 : i32
      %dma_start3A_10 = tpu.memref_slice %arg5[%add3A, %dma_start3A] : memref<32x10000xf32, #tpu.memory_space<hbm>> -> memref<1x10000xf32, #tpu.memory_space<hbm>>
      %dma_start3A_11 = tpu.memref_squeeze %dma_start3A_10 : memref<1x10000xf32, #tpu.memory_space<hbm>> -> memref<10000xf32, #tpu.memory_space<hbm>>
      %dma_start3A_12 = arith.constant 0 : i32
      %dma_start3A_13 = tpu.memref_slice %arg5[%add3A, %dma_start3A_12] : memref<32x10000xf32, #tpu.memory_space<hbm>> -> memref<1x10000xf32, #tpu.memory_space<hbm>>
      %dma_start3A_14 = tpu.memref_squeeze %dma_start3A_13 : memref<1x10000xf32, #tpu.memory_space<hbm>> -> memref<10000xf32, #tpu.memory_space<hbm>>
      tpu.enqueue_dma source(%arg9 : memref<10000xf32, #tpu.memory_space<vmem>>) target(%dma_start3A_14 : memref<10000xf32, #tpu.memory_space<hbm>>) target_semaphore(%run_scoped3A : memref<!tpu.dma_semaphore, #tpu.memory_space<semaphore_mem>>)
      %dma_wait3A = arith.constant 0 : i32
      %dma_wait3A_15 = tpu.memref_slice %arg5[%add3A, %dma_wait3A] : memref<32x10000xf32, #tpu.memory_space<hbm>> -> memref<1x10000xf32, #tpu.memory_space<hbm>>
      %dma_wait3A_16 = tpu.memref_squeeze %dma_wait3A_15 : memref<1x10000xf32, #tpu.memory_space<hbm>> -> memref<10000xf32, #tpu.memory_space<hbm>>
      %dma_wait3A_17 = arith.constant 0 : i32
      %dma_wait3A_18 = tpu.memref_slice %arg5[%add3A, %dma_wait3A_17] : memref<32x10000xf32, #tpu.memory_space<hbm>> -> memref<1x10000xf32, #tpu.memory_space<hbm>>
      %dma_wait3A_19 = tpu.memref_squeeze %dma_wait3A_18 : memref<1x10000xf32, #tpu.memory_space<hbm>> -> memref<10000xf32, #tpu.memory_space<hbm>>
      tpu.wait_dma2 semaphore(%run_scoped3A : memref<!tpu.dma_semaphore, #tpu.memory_space<semaphore_mem>>) src(%arg9 : memref<10000xf32, #tpu.memory_space<vmem>>) dst(%dma_wait3A_19 : memref<10000xf32, #tpu.memory_space<hbm>>)
      tpu.yield
    }) : () -> ()
    return
  }
}

module attributes {stable_mosaic.version = 14 : i64} {
  func.func @body(%arg0: i32, %arg1: memref<32x1024xf32, #tpu.memory_space<vmem>>, %arg2: memref<1024x128xf32, #tpu.memory_space<vmem>>, %arg3: memref<128x128xf32, #tpu.memory_space<vmem>>, %arg4: memref<1024x128xf32, #tpu.memory_space<vmem>>, %arg5: memref<1x1024xf32, #tpu.memory_space<vmem>>) attributes {dimension_semantics = [#tpu.dimension_semantics<arbitrary>], iteration_bounds = array<i64: 10>, scalar_prefetch = 0 : i64, scratch_operands = 0 : i64, tpu.core_type = #tpu.core_type<tc>, window_params = [{transform_indices = @transform_0, window_bounds = array<i64: 32, 1024>}, {transform_indices = @transform_1, window_bounds = array<i64: 1024, 128>}, {pipeline_mode = #tpu.pipeline_mode<synchronous>, transform_indices = @transform_2, window_bounds = array<i64: 128, 128>}, {transform_indices = @transform_3, window_bounds = array<i64: 1024, 128>}, {transform_indices = @transform_4, window_bounds = array<i64: 1, 1024>}]} {
    %get3A = arith.constant 0 : index
    %get3A_0 = arith.constant 0 : index
    %get3A_1 = vector.load %arg1[%get3A, %get3A_0] : memref<32x1024xf32, #tpu.memory_space<vmem>>, vector<32x1024xf32>
    %reduce_sum3A = arith.constant dense<0.000000e+00> : vector<1024xf32>
    %reduce_sum3A_2 = vector.multi_reduction <add>, %get3A_1, %reduce_sum3A [0] : vector<32x1024xf32> to vector<1024xf32>
    %broadcast_in_dim3A = vector.shape_cast %reduce_sum3A_2 : vector<1024xf32> to vector<1x1024xf32>
    %add3A = arith.constant 1.000000e+00 : f32
    %add3A_3 = vector.broadcast %add3A : f32 to vector<1x1024xf32>
    %add3A_4 = arith.addf %broadcast_in_dim3A, %add3A_3 : vector<1x1024xf32>
    %rsqrt3A = math.rsqrt %add3A_4 : vector<1x1024xf32>
    %swap3A = arith.constant 0 : index
    %swap3A_5 = arith.constant 0 : index
    %swap3A_6 = vector.load %arg5[%swap3A, %swap3A_5] : memref<1x1024xf32, #tpu.memory_space<vmem>>, vector<1x1024xf32>
    tpu.vector_store %arg5[%swap3A, %swap3A_5], %rsqrt3A {strides = array<i32>} : memref<1x1024xf32, #tpu.memory_space<vmem>>, vector<1x1024xf32>,
    %get3A_7 = arith.constant 0 : index
    %get3A_8 = arith.constant 0 : index
    %get3A_9 = vector.load %arg2[%get3A_7, %get3A_8] : memref<1024x128xf32, #tpu.memory_space<vmem>>, vector<1024x128xf32>
    %get3A_10 = arith.constant 0 : index
    %get3A_11 = arith.constant 0 : index
    %get3A_12 = vector.load %arg3[%get3A_10, %get3A_11] : memref<128x128xf32, #tpu.memory_space<vmem>>, vector<128x128xf32>
    %dot_general3A = arith.constant dense<0.000000e+00> : vector<1024x128xf32>
    %dot_general3A_13 = tpu.matmul %get3A_9, %get3A_12, %dot_general3A {dimension_numbers = #tpu.dot_dimension_numbers<[1], [0], [0], [1], [0, 0, 1, 1], [], []>, transpose_lhs_hint = false} : vector<1024x128xf32>, vector<128x128xf32>, vector<1024x128xf32> -> vector<1024x128xf32>
    %transpose3A = tpu.transpose %rsqrt3A, [1, 0] : vector<1x1024xf32> -> vector<1024x1xf32>
    %mul3A = vector.broadcast %transpose3A : vector<1024x1xf32> to vector<1024x128xf32>
    %mul3A_14 = arith.mulf %dot_general3A_13, %mul3A : vector<1024x128xf32>
    %swap3A_15 = arith.constant 0 : index
    %swap3A_16 = arith.constant 0 : index
    %swap3A_17 = vector.load %arg4[%swap3A_15, %swap3A_16] : memref<1024x128xf32, #tpu.memory_space<vmem>>, vector<1024x128xf32>
    tpu.vector_store %arg4[%swap3A_15, %swap3A_16], %mul3A_14 {strides = array<i32>} : memref<1024x128xf32, #tpu.memory_space<vmem>>, vector<1024x128xf32>,
    return
  }
  func.func @transform_0(%arg0: i32) -> (i32, i32) {
    %c0_i32 = arith.constant 0 : i32
    %c0_i32_0 = arith.constant 0 : i32
    return %c0_i32, %arg0 : i32, i32
  }
  func.func @transform_1(%arg0: i32) -> (i32, i32) {
    %c0_i32 = arith.constant 0 : i32
    %c0_i32_0 = arith.constant 0 : i32
    return %arg0, %c0_i32 : i32, i32
  }
  func.func @transform_2(%arg0: i32) -> (i32, i32) {
    %c0_i32 = arith.constant 0 : i32
    %c0_i32_0 = arith.constant 0 : i32
    %c0_i32_1 = arith.constant 0 : i32
    return %c0_i32, %c0_i32_0 : i32, i32
  }
  func.func @transform_3(%arg0: i32) -> (i32, i32) {
    %c0_i32 = arith.constant 0 : i32
    %c0_i32_0 = arith.constant 0 : i32
    return %arg0, %c0_i32 : i32, i32
  }
  func.func @transform_4(%arg0: i32) -> (i32, i32) {
    %c0_i32 = arith.constant 0 : i32
    %c0_i32_0 = arith.constant 0 : i32
    return %c0_i32, %arg0 : i32, i32
  }
}

module attributes {stable_mosaic.version = 14 : i64} {
  func.func @body(%arg0: i32, %arg1: memref<2x1024x128xf32, #tpu.memory_space<vmem>>, %arg2: memref<1024x128xf32, #tpu.memory_space<vmem>>, %arg3: memref<1x1024xf32, #tpu.memory_space<vmem>>, %arg4: memref<1x128xf32, #tpu.memory_space<vmem>>, %arg5: memref<1x128xf32, #tpu.memory_space<vmem>>, %arg6: memref<1024x1xf32, #tpu.memory_space<vmem>>) attributes {dimension_semantics = [#tpu.dimension_semantics<arbitrary>], iteration_bounds = array<i64: 10>, scalar_prefetch = 0 : i64, scratch_operands = 0 : i64, tpu.core_type = #tpu.core_type<tc>, window_params = [{transform_indices = @transform_0, window_bounds = array<i64: 2, 1024, 128>}, {transform_indices = @transform_1, window_bounds = array<i64: 1024, 128>}, {transform_indices = @transform_2, window_bounds = array<i64: 1, 1024>}, {pipeline_mode = #tpu.pipeline_mode<synchronous>, transform_indices = @transform_3, window_bounds = array<i64: 1, 128>}, {pipeline_mode = #tpu.pipeline_mode<synchronous>, transform_indices = @transform_4, window_bounds = array<i64: 1, 128>}, {transform_indices = @transform_5, window_bounds = array<i64: 1024, 1>}]} {
    %get3A = arith.constant 0 : index
    %get3A_0 = arith.constant 0 : index
    %get3A_1 = arith.constant 0 : index
    %get3A_2 = vector.load %arg1[%get3A, %get3A_0, %get3A_1] : memref<2x1024x128xf32, #tpu.memory_space<vmem>>, vector<1x1024x128xf32>
    %get3A_3 = vector.shape_cast %get3A_2 : vector<1x1024x128xf32> to vector<1024x128xf32>
    %get3A_4 = arith.constant 1 : index
    %get3A_5 = arith.constant 0 : index
    %get3A_6 = arith.constant 0 : index
    %get3A_7 = vector.load %arg1[%get3A_4, %get3A_5, %get3A_6] : memref<2x1024x128xf32, #tpu.memory_space<vmem>>, vector<1x1024x128xf32>
    %get3A_8 = vector.shape_cast %get3A_7 : vector<1x1024x128xf32> to vector<1024x128xf32>
    %add3A = arith.addf %get3A_3, %get3A_8 : vector<1024x128xf32>
    %get3A_9 = arith.constant 0 : index
    %get3A_10 = arith.constant 0 : index
    %get3A_11 = vector.load %arg2[%get3A_9, %get3A_10] : memref<1024x128xf32, #tpu.memory_space<vmem>>, vector<1024x128xf32>
    %add3A_12 = arith.addf %add3A, %get3A_11 : vector<1024x128xf32>
    %get3A_13 = arith.constant 0 : index
    %get3A_14 = arith.constant 0 : index
    %get3A_15 = vector.load %arg3[%get3A_13, %get3A_14] : memref<1x1024xf32, #tpu.memory_space<vmem>>, vector<1x1024xf32>
    %transpose3A = tpu.transpose %get3A_15, [1, 0] : vector<1x1024xf32> -> vector<1024x1xf32>
    %mul3A = vector.broadcast %transpose3A : vector<1024x1xf32> to vector<1024x128xf32>
    %mul3A_16 = arith.mulf %add3A_12, %mul3A : vector<1024x128xf32>
    %get3A_17 = arith.constant 0 : index
    %get3A_18 = arith.constant 0 : index
    %get3A_19 = vector.load %arg4[%get3A_17, %get3A_18] : memref<1x128xf32, #tpu.memory_space<vmem>>, vector<1x128xf32>
    %add3A_20 = vector.broadcast %get3A_19 : vector<1x128xf32> to vector<1024x128xf32>
    %add3A_21 = arith.addf %mul3A_16, %add3A_20 : vector<1024x128xf32>
    %max3A = arith.constant 0.000000e+00 : f32
    %max3A_22 = vector.broadcast %max3A : f32 to vector<1024x128xf32>
    %max3A_23 = arith.maximumf %add3A_21, %max3A_22 : vector<1024x128xf32>
    %get3A_24 = arith.constant 0 : index
    %get3A_25 = arith.constant 0 : index
    %get3A_26 = vector.load %arg5[%get3A_24, %get3A_25] : memref<1x128xf32, #tpu.memory_space<vmem>>, vector<1x128xf32>
    %mul3A_27 = vector.broadcast %get3A_26 : vector<1x128xf32> to vector<1024x128xf32>
    %mul3A_28 = arith.mulf %max3A_23, %mul3A_27 : vector<1024x128xf32>
    %reduce_sum3A = arith.constant dense<0.000000e+00> : vector<1024xf32>
    %reduce_sum3A_29 = vector.multi_reduction <add>, %mul3A_28, %reduce_sum3A [1] : vector<1024x128xf32> to vector<1024xf32>
    %broadcast_in_dim3A = vector.shape_cast %reduce_sum3A_29 : vector<1024xf32> to vector<1024x1xf32>
    %mul3A_30 = arith.mulf %transpose3A, %broadcast_in_dim3A : vector<1024x1xf32>
    %swap3A = arith.constant 0 : index
    %swap3A_31 = arith.constant 0 : index
    %swap3A_32 = vector.load %arg6[%swap3A, %swap3A_31] : memref<1024x1xf32, #tpu.memory_space<vmem>>, vector<1024x1xf32>
    tpu.vector_store %arg6[%swap3A, %swap3A_31], %mul3A_30 {strides = array<i32>} : memref<1024x1xf32, #tpu.memory_space<vmem>>, vector<1024x1xf32>,
    return
  }
  func.func @transform_0(%arg0: i32) -> (i32, i32, i32) {
    %c0_i32 = arith.constant 0 : i32
    %c0_i32_0 = arith.constant 0 : i32
    %c0_i32_1 = arith.constant 0 : i32
    return %c0_i32, %arg0, %c0_i32_0 : i32, i32, i32
  }
  func.func @transform_1(%arg0: i32) -> (i32, i32) {
    %c0_i32 = arith.constant 0 : i32
    %c0_i32_0 = arith.constant 0 : i32
    return %arg0, %c0_i32 : i32, i32
  }
  func.func @transform_2(%arg0: i32) -> (i32, i32) {
    %c0_i32 = arith.constant 0 : i32
    %c0_i32_0 = arith.constant 0 : i32
    return %c0_i32, %arg0 : i32, i32
  }
  func.func @transform_3(%arg0: i32) -> (i32, i32) {
    %c0_i32 = arith.constant 0 : i32
    %c0_i32_0 = arith.constant 0 : i32
    %c0_i32_1 = arith.constant 0 : i32
    return %c0_i32, %c0_i32_0 : i32, i32
  }
  func.func @transform_4(%arg0: i32) -> (i32, i32) {
    %c0_i32 = arith.constant 0 : i32
    %c0_i32_0 = arith.constant 0 : i32
    %c0_i32_1 = arith.constant 0 : i32
    return %c0_i32, %c0_i32_0 : i32, i32
  }
  func.func @transform_5(%arg0: i32) -> (i32, i32) {
    %c0_i32 = arith.constant 0 : i32
    %c0_i32_0 = arith.constant 0 : i32
    return %arg0, %c0_i32 : i32, i32
  }
}

module attributes {stable_mosaic.version = 14 : i64} {
  func.func @body(%arg0: i32, %arg1: memref<32x1024xf32, #tpu.memory_space<vmem>>, %arg2: memref<1x1024xf32, #tpu.memory_space<vmem>>, %arg3: memref<1x1024xf32, #tpu.memory_space<vmem>>, %arg4: memref<1x1xf32, #tpu.memory_space<vmem>>, %arg5: memref<1x1024xf32, #tpu.memory_space<vmem>>) attributes {dimension_semantics = [#tpu.dimension_semantics<arbitrary>], iteration_bounds = array<i64: 10>, scalar_prefetch = 0 : i64, scratch_operands = 0 : i64, tpu.core_type = #tpu.core_type<tc>, window_params = [{transform_indices = @transform_0, window_bounds = array<i64: 32, 1024>}, {transform_indices = @transform_1, window_bounds = array<i64: 1, 1024>}, {transform_indices = @transform_2, window_bounds = array<i64: 1, 1024>}, {pipeline_mode = #tpu.pipeline_mode<synchronous>, transform_indices = @transform_3, window_bounds = array<i64: 1, 1>}, {transform_indices = @transform_4, window_bounds = array<i64: 1, 1024>}]} {
    %get3A = arith.constant 0 : index
    %get3A_0 = arith.constant 0 : index
    %get3A_1 = vector.load %arg1[%get3A, %get3A_0] : memref<32x1024xf32, #tpu.memory_space<vmem>>, vector<32x1024xf32>
    %reduce_sum3A = arith.constant dense<0.000000e+00> : vector<1024xf32>
    %reduce_sum3A_2 = vector.multi_reduction <add>, %get3A_1, %reduce_sum3A [0] : vector<32x1024xf32> to vector<1024xf32>
    %broadcast_in_dim3A = vector.shape_cast %reduce_sum3A_2 : vector<1024xf32> to vector<1x1024xf32>
    %get3A_3 = arith.constant 0 : index
    %get3A_4 = arith.constant 0 : index
    %get3A_5 = vector.load %arg2[%get3A_3, %get3A_4] : memref<1x1024xf32, #tpu.memory_space<vmem>>, vector<1x1024xf32>
    %add3A = arith.addf %broadcast_in_dim3A, %get3A_5 : vector<1x1024xf32>
    %get3A_6 = arith.constant 0 : index
    %get3A_7 = arith.constant 0 : index
    %get3A_8 = vector.load %arg3[%get3A_6, %get3A_7] : memref<1x1024xf32, #tpu.memory_space<vmem>>, vector<1x1024xf32>
    %mul3A = arith.mulf %get3A_8, %add3A : vector<1x1024xf32>
    %get3A_9 = arith.constant 0 : index
    %get3A_10 = arith.constant 0 : index
    %get3A_11 = vector.load %arg4[%get3A_9, %get3A_10] : memref<1x1xf32, #tpu.memory_space<vmem>>, vector<1x1xf32>
    %get3A_12 = vector.extract %get3A_11[0, 0] : f32 from vector<1x1xf32>
    %add3A_13 = vector.broadcast %get3A_12 : f32 to vector<1x1024xf32>
    %add3A_14 = arith.addf %mul3A, %add3A_13 : vector<1x1024xf32>
    %swap3A = arith.constant 0 : index
    %swap3A_15 = arith.constant 0 : index
    %swap3A_16 = vector.load %arg5[%swap3A, %swap3A_15] : memref<1x1024xf32, #tpu.memory_space<vmem>>, vector<1x1024xf32>
    tpu.vector_store %arg5[%swap3A, %swap3A_15], %add3A_14 {strides = array<i32>} : memref<1x1024xf32, #tpu.memory_space<vmem>>, vector<1x1024xf32>,
    return
  }
  func.func @transform_0(%arg0: i32) -> (i32, i32) {
    %c0_i32 = arith.constant 0 : i32
    %c0_i32_0 = arith.constant 0 : i32
    return %c0_i32, %arg0 : i32, i32
  }
  func.func @transform_1(%arg0: i32) -> (i32, i32) {
    %c0_i32 = arith.constant 0 : i32
    %c0_i32_0 = arith.constant 0 : i32
    return %c0_i32, %arg0 : i32, i32
  }
  func.func @transform_2(%arg0: i32) -> (i32, i32) {
    %c0_i32 = arith.constant 0 : i32
    %c0_i32_0 = arith.constant 0 : i32
    return %c0_i32, %arg0 : i32, i32
  }
  func.func @transform_3(%arg0: i32) -> (i32, i32) {
    %c0_i32 = arith.constant 0 : i32
    %c0_i32_0 = arith.constant 0 : i32
    %c0_i32_1 = arith.constant 0 : i32
    return %c0_i32, %c0_i32_0 : i32, i32
  }
  func.func @transform_4(%arg0: i32) -> (i32, i32) {
    %c0_i32 = arith.constant 0 : i32
    %c0_i32_0 = arith.constant 0 : i32
    return %c0_i32, %arg0 : i32, i32
  }
}

</mosaic_0001>

<sc_bundles>
// kernel: kernel.11.cloned.1.call-start
scs
__scs_entry_jumppad:
0x0: {  	(pc) =	sbr.rel $0x88, $3  }
0x1: {  	(tag) =	ssettag $0x0;
	lr =	simm.s32 $0x1  }
0x2: {  	[smem:$0x3F9B] =	sst lr;
	_ =	strace $0xD0000000  }
0x3: {  	_ = 	snop  }
0x4: {  	_ = 	snop  }
0x5: {  	_ = 	snop  }
0x6: {  	_ = 	snop  }
0x7: {  	_ = 	snop  }
__scs_overlays_trampoline_lowered:
0x8: {  	[smem:$0x3FAA] =	sst s0  }
0x9: {  	[smem:$0x3FAB] =	sst s1  }
0xa: {  	[smem:$0x3FAC] =	sst s2  }
0xb: {  	[smem:$0x3FAD] =	sst s3  }
0xc: {  	[smem:$0x3FAE] =	sst s4  }
0xd: {  	[smem:$0x3FAF] =	sst s5  }
0xe: {  	[smem:$0x3FB0] =	sst s6  }
0xf: {  	[smem:$0x3FB1] =	sst s7  }
0x10: {  	[smem:$0x3FB2] =	sst s8  }
0x11: {  	[smem:$0x3FB3] =	sst s9;
	s0 =	simm.s32 @!p0 $0x0  }
0x12: {  	s1 =	sld [smem:$0x3F99];
	s0 =	simm.s32 @p0 $0x1  }
0x13: {  	[smem:$0x3FB4] =	sst s0;
	s0 =	simm.s32 @!p1 $0x0  }
0x14: {  	s2 =	sld [smem:$0x3F98];
	s0 =	simm.s32 @p1 $0x1  }
0x15: {  	[smem:$0x3FB5] =	sst s0;
	s0 =	simm.s32 @!p2 $0x0  }
0x16: {  	s3 =	sld [smem:$0x3FDB];
	s0 =	simm.s32 @p2 $0x1  }
0x17: {  	s4 =	simm.s32 $0x1BF5;
	[smem:$0x3FB7] =	sst s0  }
0x18: {  	s0 =	sld [smem:$0x3F9A];
	_ =	swait.ge [sflag:s4], $0x0  }
0x19: {  	s7 =	sld [smem:$0x3F9B]  }
0x1a: {  	s8 =	sadd.s32 $0xFFFFE003, lr  }
0x1b: {  	s9 =	sadd.s32 $0xFFFFFEF7, lr;
	s5 =	simm.s32 $0xFFFFFFFF;
	p2 =	slt.u32 s8, $0xFFFFF086  }
0x1c: {  	p1 =	slt.u32 s9, $0xF7A;
	s5 =	simm.s32 @!p2 $0x0  }
0x1d: {  	s5 =	simm.s32 @p1 $0x1;
	p0 =	seq.s32 s7, s2  }
0x1e: {  	s7 =	smul.u32 @!p0 $0xF7A, s2;
	p2 =	seq.s32 @!p0 s5, $0x0  }
0x1f: {  	s9 =	smul.u32 $0xF7A, s1;
	s8 =	simm.s32 @!p0 $0x1BF5;
	p2 =	por !p2, p0  }
0x20: {  	[sflag:s8] =	ssyncset.s32 @!p0 $0xFFFFF086;
	s6 =	sadd.s32 @!p0 s3, s7;
	s7 =	simm.s32 @!p0 $0x108  }
0x21: {  	s3 =	sadd.s32 s3, s9;
	s6 =	sadd.s32 @!p0 $0x88, s6;
	s7 =	simm.s32 @p2 $0x1082  }
0x22: {  	[simem:s7], [sflag:s8] =	dma.local @!p0 [hbm:s6], $0xF7A  }
0x23: {  	s9 =	sor.u32 $0xD0000000, s2;
	s6 =	simm.s32 $0x108;
	_ =	swait.ge @!p0 [sflag:s8], $0x0  }
0x24: {  	s3 =	sadd.s32 $0x88, s3;
	s6 =	simm.s32 @!p1 $0x1082;
	[sflag:s4] =	ssyncset.s32 $0xFFFFF086  }
0x25: {  	[simem:s6], [sflag:s4] =	dma.local [hbm:s3], $0xF7A  }
0x26: {  	[smem:$0x3F9B] =	sst s1;
	(tag) =	ssettag s2;
	_ =	strace s9  }
0x27: {  	s1 =	sld [smem:$0x3FAB]  }
0x28: {  	s2 =	sld [smem:$0x3FAC]  }
0x29: {  	s4 =	sld [smem:$0x3FAE]  }
0x2a: {  	p0 =	seq.s32 s5, $0x0;
	s5 =	sld [smem:$0x3FAF]  }
0x2b: {  	s6 =	sld [smem:$0x3FB0]  }
0x2c: {  	s7 =	sld [smem:$0x3FB1]  }
0x2d: {  	s3 =	simm.s32 $0x108;
	s8 =	sld [smem:$0x3FB2]  }
0x2e: {  	s3 =	simm.s32 @!p0 $0x1082;
	s9 =	sld [smem:$0x3FB3]  }
0x2f: {  	lr =	sadd.s32 s0, s3;
	s0 =	sld [smem:$0x3FAA]  }
0x30: {  	s3 =	sld [smem:$0x3FAD]  }
0x31: {  	[smem:$0x3FB6] =	sst s10  }
0x32: {  	s10 =	sld [smem:$0x3FB4];
	_ =	sdelay $0x3  }
0x33: {  	p0 =	seq.s32 s10, $0x1;
	s10 =	sld [smem:$0x3FB6];
	_ =	sdelay $0x3  }
0x34: {  	[smem:$0x3FB6] =	sst s10  }
0x35: {  	s10 =	sld [smem:$0x3FB5];
	_ =	sdelay $0x3  }
0x36: {  	p1 =	seq.s32 s10, $0x1;
	s10 =	sld [smem:$0x3FB6];
	_ =	sdelay $0x3  }
0x37: {  	[smem:$0x3FB6] =	sst s10  }
0x38: {  	s10 =	sld [smem:$0x3FB7]  }
0x39: {  	_ = 	snop;
	(pc) =	sbr.ind lr, $3  }
0x3a: {  	_ = 	snop  }
0x3b: {  	_ = 	snop  }
0x3c: {  	p2 =	seq.s32 s10, $0x1;
	s10 =	sld [smem:$0x3FB6]  }
0x3d: {  	_ =	shalt  }
0x3e: {  	_ =	shalt  }
0x3f: {  	_ =	shalt  }
0x40: {  	_ =	shalt  }
0x41: {  	_ =	shalt  }
0x42: {  	_ =	shalt  }
0x43: {  	_ =	shalt  }
0x44: {  	_ =	shalt  }
0x45: {  	_ =	shalt  }
0x46: {  	_ =	shalt  }
0x47: {  	_ =	shalt  }
0x48: {  	_ =	shalt  }
0x49: {  	_ =	shalt  }
0x4a: {  	_ =	shalt  }
0x4b: {  	_ =	shalt  }
0x4c: {  	_ =	shalt  }
0x4d: {  	_ =	shalt  }
0x4e: {  	_ =	shalt  }
0x4f: {  	_ =	shalt  }
0x50: {  	_ =	shalt  }
0x51: {  	_ =	shalt  }
0x52: {  	_ =	shalt  }
0x53: {  	_ =	shalt  }
0x54: {  	_ =	shalt  }
0x55: {  	_ =	shalt  }
0x56: {  	_ =	shalt  }
0x57: {  	_ =	shalt  }
0x58: {  	_ =	shalt  }
0x59: {  	_ =	shalt  }
0x5a: {  	_ =	shalt  }
0x5b: {  	_ =	shalt  }
0x5c: {  	_ =	shalt  }
0x5d: {  	_ =	shalt  }
0x5e: {  	_ =	shalt  }
0x5f: {  	_ =	shalt  }
0x60: {  	_ =	shalt  }
0x61: {  	_ =	shalt  }
0x62: {  	_ =	shalt  }
0x63: {  	_ =	shalt  }
0x64: {  	_ =	shalt  }
0x65: {  	_ =	shalt  }
0x66: {  	_ =	shalt  }
0x67: {  	_ =	shalt  }
0x68: {  	_ =	shalt  }
0x69: {  	_ =	shalt  }
0x6a: {  	_ =	shalt  }
0x6b: {  	_ =	shalt  }
0x6c: {  	_ =	shalt  }
0x6d: {  	_ =	shalt  }
0x6e: {  	_ =	shalt  }
0x6f: {  	_ =	shalt  }
0x70: {  	_ =	shalt  }
0x71: {  	_ =	shalt  }
0x72: {  	_ =	shalt  }
0x73: {  	_ =	shalt  }
0x74: {  	_ =	shalt  }
0x75: {  	_ =	shalt  }
0x76: {  	_ =	shalt  }
0x77: {  	_ =	shalt  }
0x78: {  	_ =	shalt  }
0x79: {  	_ =	shalt  }
0x7a: {  	_ =	shalt  }
0x7b: {  	_ =	shalt  }
0x7c: {  	_ =	shalt  }
0x7d: {  	_ =	shalt  }
0x7e: {  	_ =	shalt  }
0x7f: {  	_ =	shalt  }
0x80: {  	_ =	shalt  }
0x81: {  	_ =	shalt  }
0x82: {  	_ =	shalt  }
0x83: {  	_ =	shalt  }
0x84: {  	_ =	shalt  }
0x85: {  	_ =	shalt  }
0x86: {  	_ =	shalt  }
0x87: {  	_ =	shalt  }
.Lfunc_end0:
.L_simem_size_0:
called_computation.1_lowered:
.L_overlay_start_0:
0x88: {  	s2 =	sld [smem:$0x3FD9]  }
0x89: {  	s3 =	sld [smem:$0x3FFE];
	_ =	sdelay $0x1  }
0x8a: {  	s1 =	srdreg.scid  }
0x8b: {  	s0 =	sand.u32 $0x1, s1  }
0x8c: {  	s16 =	sshll.u32 s0, $0xA;
	s2 =	sadd.s32 s3, s2  }
0x8d: {  	s2 =	sadd.s32 s2, s16  }
0x8e: {  	[smem:$0x3FC2] =	sst s2  }
0x8f: {  	_ = 	snop  }
0x90: {  	(tm) =	ssettm $0x1  }
0x91: {  	s17 =	sld [smem:$0x3FFB];
	_ =	sdelay $0x3  }
0x92: {  	_ =	strace s17  }
0x93: {  	s2 =	sld [smem:$0x3FFC];
	_ =	sdelay $0x3  }
0x94: {  	_ =	strace s2  }
0x95: {  	s2 =	sld [smem:$0x3FFD];
	_ =	sdelay $0x3  }
0x96: {  	_ =	strace s2  }
0x97: {  	_ =	strace $0x8FFFFFFF  }
0x98: {  	s18 =	sld [smem:$0x3FDB];
	_ =	sdelay $0x1  }
0x99: {  	s19 =	simm.s32 $_scs_section_size  }
0x9a: {  	s4 =	simm.s32 $_size__tile_overlayer_lowered;
	s5 =	simm.s32 $_tile_overlayer_lowered  }
0x9b: {  	s22 =	simm.s32 $0x1BFF;
	s21 =	sshll.u32 s5, $0x1;
	s2 =	sadd.s32 s19, s18  }
0x9c: {  	s6 =	simm.s32 $0x0;
	s20 =	sshll.u32 s4, $0x1;
	s4 =	sadd.s32 s21, s2  }
0x9d: {  	[timem:s6], [sflag:s22] =	dma.local [hbm:s4], s20  }
0x9e: {  	_ =	swait.ge [sflag:s22], s20  }
0x9f: {  	s3 =	ssub.s32 $0x0, s20;
	[sflag:s22] =	ssyncset.done $0x0  }
0xa0: {  	[sflag:s22] =	ssyncadd.s32 s3;
	_ =	sdelay $0x1  }
0xa1: {  	s23 =	simm.s32 $0x1B8B  }
0xa2: {  	_ =	swait.ge [sflag:s23], $0x1  }
0xa3: {  	[sflag:s23] =	ssyncset.done $0x0  }
0xa4: {  	s25 =	simm.s32 $0x1B8E;
	s24 =	sld [smem:$0x3FFE];
	[sflag:s23] =	ssyncadd.s32 $0xFFFFFFFF  }
0xa5: {  	s26 =	simm.s32 $execute0_lowered;
	[smem:$0x3FD2] =	sst s25  }
0xa6: {  	s4 =	sshll.u32 s26, $0x1;
	_ =	strace $0x80000049;
	[dreg:$0x1] =	wrdreg $0xFFFFFFFF  }
0xa7: {  	s28 =	simm.s32 $_size_execute0_lowered;
	s2 =	sadd.s32 s2, s4;
	[dreg:$0x0] =	wrdreg $0x0  }
0xa8: {  	s4 =	sshll.u32 s28, $0x1;
	[dreg:$0x2] =	wrdreg s2  }
0xa9: {  	[dreg:$0x3] =	wrdreg s4  }
0xaa: {  	[dreg:$0x4] =	wrdreg $0xC0  }
0xab: {  	_ =	task [dreg:s6], $0x5FFFF  }
0xac: {  	[dreg:$0x1] =	wrdreg $0xFFFFFFFF  }
0xad: {  	[dreg:$0x0] =	wrdreg $0x60  }
0xae: {  	[dreg:$0x2] =	wrdreg s24  }
0xaf: {  	[dreg:$0x3] =	wrdreg $0xA8000  }
0xb0: {  	[dreg:$0x4] =	wrdreg $0x9  }
0xb1: {  	_ =	task.clear_ibuf [dreg:s6], $0x5FFFF;
	_ =	strace $0x90000049  }
0xb2: {  	s29 =	simm.s32 $0x9;
	_ =	strace $0x8000004B  }
0xb3: {  	_ =	swait.ge [sflag:s29], $0x1  }
0xb4: {  	[sflag:s29] =	ssyncadd.s32 $0xFFFFFFFF  }
0xb5: {  	_ =	strace $0x9000004B  }
0xb6: {  	_ =	sfence  }
0xb7: {  	s30 =	sld [smem:$0x0];
	_ =	sdelay $0x2  }
0xb8: {  	s31 =	sshll.u32 s1, $0xD;
	s1 =	sshrl.u32 s1, $0x2  }
0xb9: {  	s3 =	sand.u32 $0x4000, s31;
	s1 =	sadd.s32 s1, s30  }
0xba: {  	s0 =	sor.u32 s3, s0;
	s1 =	sshll.u32 s1, $0x11  }
0xbb: {  	s0 =	sor.u32 s1, s0  }
0xbc: {  	s0 =	sadd.s32 $0x8F2B, s0  }
0xbd: {  	[sflag:s0] =	ssyncadd.remote.s32 $0x1  }
0xbe: {  	_ =	sfence.sel $0xFFFF  }
0xbf: {  	[dreg:$0x0] =	wrdreg $0xFFFFFFFF;
	(pc) =	sbr.abs _section_cstart, $3  }
0xc0: {  	[dreg:$0x1] =	wrdreg $0xFFFFFFFF  }
0xc1: {  	_ =	task.clear_ibuf [dreg:s6], $0x2FFFF;
	_ =	strace $0x9FFFFFFF  }
0xc2: {  	(tm) =	ssettm $0x7FFFFFFF  }
0xc3: {  	_ =	shalt  }
tec
execute0_lowered:
.L_overlay_start_1:
0x0: {  	(tag) =	ssettag $0x1  }
0x1: {  	s7 =	rddreg [dreg:$0x0]  }
0x2: {  	s1 =	rddreg [dreg:$0x1]  }
0x3: {  	s2 =	srdreg.scid;
	s0 =	rddreg [dreg:$0x2]  }
0x4: {  	s3 =	simm.s32 $0x0;
	s18 =	simm.s32 $0x3;
	s19 =	simm.s32 $0x1400  }
0x5: {  	s20 =	simm.s32 $0x80;
	s21 =	simm.s32 $0x6800;
	s22 =	simm.s32 $0x1  }
0x6: {  	s23 =	simm.s32 $0x2;
	s24 =	simm.s32 $0x2700;
	s25 =	simm.s32 $0x2780  }
0x7: {  	s26 =	simm.s32 $0x0;
	s6 =	sand.u32 $0x1, s2;
	s2 =	stileid.u32  }
0x8: {  	[smem:$0x7FF] =	sst s3;
	s4 =	sadd.s32 $0x29600, s7;
	s5 =	smul.u32 $0x13C000, s6  }
0x9: {  	s13 =	sadd.s32 $0x15600, s7;
	s14 =	sadd.s32 $0x1F600, s7;
	s8 =	smul.u32 $0x13C00, s2  }
0xa: {  	s9 =	smul.u32 $0x4F000, s2;
	s10 =	sshll.u32 s2, $0x1;
	s11 =	ssub.s32 $0x2, s6  }
0xb: {  	_ =	strace $0x8000004A;
	s10 =	sor.u32 s6, s10;
	s31 =	sshrl.u32 s11, $0x1  }
0xc: {  	s8 =	sadd.s32 s8, s5;
	s5 =	sadd.s32 $0xB800, s7;
	s30 =	sshrl.u32 s9, $0x2  }
0xd: {  	s10 =	smul.u32 $0x2800, s10;
	s16 =	ssub.s32 s11, s31;
	s8 =	sshrl.u32 s8, $0x3  }
0xe: {  	s6 =	sadd.s32 s30, s1;
	s16 =	smax.u32 s16, $0x1;
	s15 =	sadd.s32 s8, s7  }
0xf: {  	s7 =	sadd.s32 $0x4000, s6;
	s8 =	sadd.s32 $0x8000, s6;
	s12 =	sshrl.u32 s10, $0x3  }
0x10: {  	s9 =	sadd.s32 $0xC000, s6;
	s10 =	sadd.s32 $0x10000, s6;
	s11 =	sadd.s32 s13, s12  }
0x11: {  	s17 =	sadd.s32 $0x280, s12;
	s12 =	sadd.s32 s14, s12;
	s15 =	sadd.s32 $0x50800, s15  }
0x12: {  	s13 =	sadd.s32 s13, s17;
	s14 =	sadd.s32 s14, s17;
	s17 =	simm.s32 $0x2800  }
.LBB2_1:
0x13: {  	[tilespmem:s17], [sflag:$0x3] =	stream.linear.gather [hbm4b:s5+s3], $0x4000, $0x38;
	[tilespmem:$0x1E400] =	vst v63  }
0x14: {  	_ =	swait.ge [sflag:s18], $0x4000  }
0x15: {  	[sflag:s18] =	ssyncset.done $0x0  }
0x16: {  	[sflag:s18] =	ssyncadd.s32 $0xFFFFC000  }
0x17: {  	[spmem:s6] =	stream.linear.scatter [tilespmem:s17], [sflag:$0x3], $0x4000, $0x38;
	[tilespmem:$0x1E400] =	vst v63  }
0x18: {  	_ =	swait.ge [sflag:s18], $0x4000  }
0x19: {  	[sflag:s18] =	ssyncset.done $0x0  }
0x1a: {  	[sflag:s18] =	ssyncadd.s32 $0xFFFFC000  }
0x1b: {  	[spmem:s7] =	stream.linear.scatter [tilespmem:s17], [sflag:$0x3], $0x4000, $0x38;
	[tilespmem:$0x1E400] =	vst v63  }
0x1c: {  	_ =	swait.ge [sflag:s18], $0x4000  }
0x1d: {  	[sflag:s18] =	ssyncset.done $0x0  }
0x1e: {  	[sflag:s18] =	ssyncadd.s32 $0xFFFFC000  }
0x1f: {  	[spmem:s8] =	stream.linear.scatter [tilespmem:s17], [sflag:$0x3], $0x4000, $0x38;
	[tilespmem:$0x1E400] =	vst v63  }
0x20: {  	_ =	swait.ge [sflag:s18], $0x4000  }
0x21: {  	[sflag:s18] =	ssyncset.done $0x0  }
0x22: {  	[sflag:s18] =	ssyncadd.s32 $0xFFFFC000  }
0x23: {  	[spmem:s9] =	stream.linear.scatter [tilespmem:s17], [sflag:$0x3], $0x4000, $0x38;
	[tilespmem:$0x1E400] =	vst v63  }
0x24: {  	_ =	swait.ge [sflag:s18], $0x4000  }
0x25: {  	[sflag:s18] =	ssyncset.done $0x0  }
0x26: {  	[sflag:s18] =	ssyncadd.s32 $0xFFFFC000  }
0x27: {  	[spmem:s10] =	stream.linear.scatter [tilespmem:s17], [sflag:$0x3], $0x3C00, $0x38;
	[tilespmem:$0x1E400] =	vst v63  }
0x28: {  	_ =	swait.ge [sflag:s18], $0x3C00  }
0x29: {  	[sflag:s18] =	ssyncset.done $0x0  }
0x2a: {  	[sflag:s18] =	ssyncadd.s32 $0xFFFFC400  }
0x2b: {  	[bflag:$0x0] =	sbarrier.arrive $0xFFFF  }
0x2c: {  	[tilespmem:s3], [sflag:$0x3] =	stream.linear.gather [hbm4b:s11+s3], $0x1400, $0x38;
	[tilespmem:$0x1E400] =	vst v63  }
0x2d: {  	_ =	swait.ge [sflag:s18], $0x1400  }
0x2e: {  	[sflag:s18] =	ssyncset.done $0x0  }
0x2f: {  	[sflag:s18] =	ssyncadd.s32 $0xFFFFEC00  }
0x30: {  	[tilespmem:s19], [sflag:$0x3] =	stream.linear.gather [hbm4b:s12+s3], $0x1400, $0x38;
	[tilespmem:$0x1E400] =	vst v63  }
0x31: {  	_ =	swait.ge [sflag:s18], $0x1400  }
0x32: {  	[sflag:s18] =	ssyncset.done $0x0  }
0x33: {  	[sflag:s18] =	ssyncadd.s32 $0xFFFFEC00  }
0x34: {  	[tilespmem:s17], [sflag:$0x1] =	stream.indirect.gather [hbm4b:s4+s20], $0x80, s3, s20, $0xb8;
	[tilespmem:$0x1E400] =	vst v63  }
0x35: {  	_ = 	snop  }
0x36: {  	[tilespmem:s21], [sflag:$0x2] =	stream.indirect.gather [hbm4b:s4+s20], $0x80, s20, s20, $0xb8;
	[tilespmem:$0x1E400] =	vst v63  }
0x37: {  	_ =	swait.ge [sflag:s22], $0x4000  }
0x38: {  	[sflag:s22] =	ssyncset.done $0x0  }
0x39: {  	s28 =	simm.s32 $0x1400;
	[sflag:s22] =	ssyncadd.s32 $0xFFFFC000  }
0x3a: {  	[spmem:s1] =	stream.indirect.scatter.add.f32 [tilespmem:s17], [sflag:$0x3], $0x80, s28, s20, $0xb8;
	[tilespmem:$0x1E400] =	vst v63  }
0x3b: {  	_ =	swait.ge [sflag:s18], $0x4000  }
0x3c: {  	[sflag:s18] =	ssyncset.done $0x0  }
0x3d: {  	s28 =	simm.s32 $0x100;
	[sflag:s18] =	ssyncadd.s32 $0xFFFFC000  }
0x3e: {  	[tilespmem:s17], [sflag:$0x1] =	stream.indirect.gather [hbm4b:s4+s20], $0x80, s28, s20, $0xb8;
	[tilespmem:$0x1E400] =	vst v63  }
0x3f: {  	_ =	swait.ge [sflag:s23], $0x4000  }
0x40: {  	[sflag:s23] =	ssyncset.done $0x0  }
0x41: {  	s28 =	simm.s32 $0x1480;
	[sflag:s23] =	ssyncadd.s32 $0xFFFFC000  }
0x42: {  	[spmem:s1] =	stream.indirect.scatter.add.f32 [tilespmem:s21], [sflag:$0x3], $0x80, s28, s20, $0xb8;
	[tilespmem:$0x1E400] =	vst v63  }
0x43: {  	_ =	swait.ge [sflag:s18], $0x4000  }
0x44: {  	[sflag:s18] =	ssyncset.done $0x0  }
0x45: {  	s29 =	simm.s32 $0x180;
	s28 =	simm.s32 $0x400;
	[sflag:s18] =	ssyncadd.s32 $0xFFFFC000  }
.LBB2_2:
0x46: {  	[tilespmem:s21], [sflag:$0x2] =	stream.indirect.gather [hbm4b:s4+s20], $0x80, s29, s20, $0xb8;
	[tilespmem:$0x1E400] =	vst v63  }
0x47: {  	s29 =	smov.u32 s28  }
0x48: {  	p0 =	sne.s32 s28, $0x4800;
	s28 =	sadd.s32 $0x400, s28;
	_ =	swait.ge [sflag:s22], $0x4000  }
0x49: {  	s29 =	sshra.s32 s29, $0x2;
	[sflag:s22] =	ssyncset.done $0x0  }
0x4a: {  	s30 =	sadd.s32 $0x1400, s29;
	[sflag:s22] =	ssyncadd.s32 $0xFFFFC000  }
0x4b: {  	[spmem:s1] =	stream.indirect.scatter.add.f32 [tilespmem:s17], [sflag:$0x3], $0x80, s30, s20, $0xb8;
	[tilespmem:$0x1E400] =	vst v63  }
0x4c: {  	_ =	swait.ge [sflag:s18], $0x4000  }
0x4d: {  	[sflag:s18] =	ssyncset.done $0x0  }
0x4e: {  	s30 =	sadd.s32 $0x100, s29;
	[sflag:s18] =	ssyncadd.s32 $0xFFFFC000  }
0x4f: {  	[tilespmem:s17], [sflag:$0x1] =	stream.indirect.gather [hbm4b:s4+s20], $0x80, s30, s20, $0xb8;
	[tilespmem:$0x1E400] =	vst v63  }
0x50: {  	_ =	swait.ge [sflag:s23], $0x4000  }
0x51: {  	[sflag:s23] =	ssyncset.done $0x0  }
.Ltmp0:
0x52: {  	s30 =	sadd.s32 $0x1480, s29;
	[sflag:s23] =	ssyncadd.s32 $0xFFFFC000;
	(pc) =	sbr.rel @p0 .LBB2_2-.Ltmp0, $4  }
0x53: {  	[spmem:s1] =	stream.indirect.scatter.add.f32 [tilespmem:s21], [sflag:$0x3], $0x80, s30, s20, $0xb8;
	[tilespmem:$0x1E400] =	vst v63  }
0x54: {  	_ =	swait.ge [sflag:s18], $0x4000  }
0x55: {  	[sflag:s18] =	ssyncset.done $0x0  }
0x56: {  	s29 =	sadd.s32 $0x180, s29;
	[sflag:s18] =	ssyncadd.s32 $0xFFFFC000  }
0x57: {  	[tilespmem:s21], [sflag:$0x2] =	stream.indirect.gather [hbm4b:s4+s20], $0x80, s29, s20, $0xb8;
	[tilespmem:$0x1E400] =	vst v63  }
0x58: {  	_ =	swait.ge [sflag:s22], $0x4000  }
0x59: {  	[sflag:s22] =	ssyncset.done $0x0  }
0x5a: {  	[sflag:s22] =	ssyncadd.s32 $0xFFFFC000  }
0x5b: {  	[spmem:s1] =	stream.indirect.scatter.add.f32 [tilespmem:s17], [sflag:$0x3], $0x80, s24, s20, $0xb8;
	[tilespmem:$0x1E400] =	vst v63  }
0x5c: {  	_ =	swait.ge [sflag:s18], $0x4000  }
0x5d: {  	[sflag:s18] =	ssyncset.done $0x0  }
0x5e: {  	[sflag:s18] =	ssyncadd.s32 $0xFFFFC000  }
0x5f: {  	_ =	swait.ge [sflag:s23], $0x4000  }
0x60: {  	[sflag:s23] =	ssyncset.done $0x0  }
0x61: {  	[sflag:s23] =	ssyncadd.s32 $0xFFFFC000  }
0x62: {  	[spmem:s1] =	stream.indirect.scatter.add.f32 [tilespmem:s21], [sflag:$0x3], $0x80, s25, s20, $0xb8;
	[tilespmem:$0x1E400] =	vst v63  }
0x63: {  	_ =	swait.ge [sflag:s18], $0x4000  }
0x64: {  	[sflag:s18] =	ssyncset.done $0x0  }
0x65: {  	s28 =	simm.s32 $0x0;
	[sflag:s18] =	ssyncadd.s32 $0xFFFFC000  }
0x66: {  	[tilespmem:s28], [sflag:$0x3] =	stream.linear.gather [hbm4b:s13+s28], $0x1400, $0x38;
	[tilespmem:$0x1E400] =	vst v63  }
0x67: {  	_ =	swait.ge [sflag:s18], $0x1400  }
0x68: {  	[sflag:s18] =	ssyncset.done $0x0  }
0x69: {  	[sflag:s18] =	ssyncadd.s32 $0xFFFFEC00  }
0x6a: {  	[tilespmem:s19], [sflag:$0x3] =	stream.linear.gather [hbm4b:s14+s28], $0x1400, $0x38;
	[tilespmem:$0x1E400] =	vst v63  }
0x6b: {  	_ =	swait.ge [sflag:s18], $0x1400  }
0x6c: {  	[sflag:s18] =	ssyncset.done $0x0  }
0x6d: {  	[sflag:s18] =	ssyncadd.s32 $0xFFFFEC00  }
0x6e: {  	[tilespmem:s17], [sflag:$0x1] =	stream.indirect.gather [hbm4b:s4+s20], $0x80, s28, s20, $0xb8;
	[tilespmem:$0x1E400] =	vst v63  }
0x6f: {  	_ = 	snop  }
0x70: {  	[tilespmem:s21], [sflag:$0x2] =	stream.indirect.gather [hbm4b:s4+s20], $0x80, s20, s20, $0xb8;
	[tilespmem:$0x1E400] =	vst v63  }
0x71: {  	_ =	swait.ge [sflag:s22], $0x4000  }
0x72: {  	[sflag:s22] =	ssyncset.done $0x0  }
0x73: {  	s28 =	simm.s32 $0x1400;
	[sflag:s22] =	ssyncadd.s32 $0xFFFFC000  }
0x74: {  	[spmem:s1] =	stream.indirect.scatter.add.f32 [tilespmem:s17], [sflag:$0x3], $0x80, s28, s20, $0xb8;
	[tilespmem:$0x1E400] =	vst v63  }
0x75: {  	_ =	swait.ge [sflag:s18], $0x4000  }
0x76: {  	[sflag:s18] =	ssyncset.done $0x0  }
0x77: {  	s28 =	simm.s32 $0x100;
	[sflag:s18] =	ssyncadd.s32 $0xFFFFC000  }
0x78: {  	[tilespmem:s17], [sflag:$0x1] =	stream.indirect.gather [hbm4b:s4+s20], $0x80, s28, s20, $0xb8;
	[tilespmem:$0x1E400] =	vst v63  }
0x79: {  	_ =	swait.ge [sflag:s23], $0x4000  }
0x7a: {  	[sflag:s23] =	ssyncset.done $0x0  }
0x7b: {  	s28 =	simm.s32 $0x1480;
	[sflag:s23] =	ssyncadd.s32 $0xFFFFC000  }
0x7c: {  	[spmem:s1] =	stream.indirect.scatter.add.f32 [tilespmem:s21], [sflag:$0x3], $0x80, s28, s20, $0xb8;
	[tilespmem:$0x1E400] =	vst v63  }
0x7d: {  	_ =	swait.ge [sflag:s18], $0x4000  }
0x7e: {  	[sflag:s18] =	ssyncset.done $0x0  }
0x7f: {  	s29 =	simm.s32 $0x180;
	s28 =	simm.s32 $0x400;
	[sflag:s18] =	ssyncadd.s32 $0xFFFFC000  }
.LBB2_4:
0x80: {  	[tilespmem:s21], [sflag:$0x2] =	stream.indirect.gather [hbm4b:s4+s20], $0x80, s29, s20, $0xb8;
	[tilespmem:$0x1E400] =	vst v63  }
0x81: {  	s29 =	smov.u32 s28  }
0x82: {  	p0 =	sne.s32 s28, $0x4800;
	s28 =	sadd.s32 $0x400, s28;
	_ =	swait.ge [sflag:s22], $0x4000  }
0x83: {  	s29 =	sshra.s32 s29, $0x2;
	[sflag:s22] =	ssyncset.done $0x0  }
0x84: {  	s30 =	sadd.s32 $0x1400, s29;
	[sflag:s22] =	ssyncadd.s32 $0xFFFFC000  }
0x85: {  	[spmem:s1] =	stream.indirect.scatter.add.f32 [tilespmem:s17], [sflag:$0x3], $0x80, s30, s20, $0xb8;
	[tilespmem:$0x1E400] =	vst v63  }
0x86: {  	_ =	swait.ge [sflag:s18], $0x4000  }
0x87: {  	[sflag:s18] =	ssyncset.done $0x0  }
0x88: {  	s30 =	sadd.s32 $0x100, s29;
	[sflag:s18] =	ssyncadd.s32 $0xFFFFC000  }
0x89: {  	[tilespmem:s17], [sflag:$0x1] =	stream.indirect.gather [hbm4b:s4+s20], $0x80, s30, s20, $0xb8;
	[tilespmem:$0x1E400] =	vst v63  }
0x8a: {  	_ =	swait.ge [sflag:s23], $0x4000  }
0x8b: {  	[sflag:s23] =	ssyncset.done $0x0  }
.Ltmp1:
0x8c: {  	s30 =	sadd.s32 $0x1480, s29;
	[sflag:s23] =	ssyncadd.s32 $0xFFFFC000;
	(pc) =	sbr.rel @p0 .LBB2_4-.Ltmp1, $4  }
0x8d: {  	[spmem:s1] =	stream.indirect.scatter.add.f32 [tilespmem:s21], [sflag:$0x3], $0x80, s30, s20, $0xb8;
	[tilespmem:$0x1E400] =	vst v63  }
0x8e: {  	_ =	swait.ge [sflag:s18], $0x4000  }
0x8f: {  	[sflag:s18] =	ssyncset.done $0x0  }
0x90: {  	s29 =	sadd.s32 $0x180, s29;
	[sflag:s18] =	ssyncadd.s32 $0xFFFFC000  }
0x91: {  	[tilespmem:s21], [sflag:$0x2] =	stream.indirect.gather [hbm4b:s4+s20], $0x80, s29, s20, $0xb8;
	[tilespmem:$0x1E400] =	vst v63  }
0x92: {  	_ =	swait.ge [sflag:s22], $0x4000  }
0x93: {  	[sflag:s22] =	ssyncset.done $0x0  }
0x94: {  	[sflag:s22] =	ssyncadd.s32 $0xFFFFC000  }
0x95: {  	[spmem:s1] =	stream.indirect.scatter.add.f32 [tilespmem:s17], [sflag:$0x3], $0x80, s24, s20, $0xb8;
	[tilespmem:$0x1E400] =	vst v63  }
0x96: {  	_ =	swait.ge [sflag:s18], $0x4000  }
0x97: {  	[sflag:s18] =	ssyncset.done $0x0  }
0x98: {  	[sflag:s18] =	ssyncadd.s32 $0xFFFFC000  }
0x99: {  	_ =	swait.ge [sflag:s23], $0x4000  }
0x9a: {  	[sflag:s23] =	ssyncset.done $0x0  }
0x9b: {  	[sflag:s23] =	ssyncadd.s32 $0xFFFFC000  }
0x9c: {  	[spmem:s1] =	stream.indirect.scatter.add.f32 [tilespmem:s21], [sflag:$0x3], $0x80, s25, s20, $0xb8;
	[tilespmem:$0x1E400] =	vst v63  }
0x9d: {  	_ =	swait.ge [sflag:s18], $0x4000  }
0x9e: {  	s28 =	sshll.u32 s2, $0x6;
	s26 =	sadd.s32 $0x1, s26;
	[sflag:s18] =	ssyncset.done $0x0  }
0x9f: {  	s31 =	sshrl.u32 s6, $0x3;
	p0 =	sne.s32 s26, s16;
	[sflag:s18] =	ssyncadd.s32 $0xFFFFC000  }
.Ltmp2:
0xa0: {  	s28 =	sor.u32 $0x1C03, s28;
	[bflag:$0x0] =	sbarrier.arrive $0xFFFF;
	(pc) =	sbr.rel @p0 .LBB2_1-.Ltmp2, $4  }
0xa1: {  	[hbm:s15], [sflag:s28] =	dma.local [spmem:s31], $0x2780  }
0xa2: {  	_ =	swait.ge [sflag:s18], $0x2780  }
0xa3: {  	[sflag:s18] =	ssyncset.done $0x0  }
0xa4: {  	[sflag:s18] =	ssyncadd.s32 $0xFFFFD880  }
0xa5: {  	_ =	sfence.sel $0x180000  }
0xa6: {  	[bflag:$0x0] =	sbarrier.arrive $0xFFFF  }
0xa7: {  	p0 =	sne.s32 s2, $0x0;
	_ =	strace $0x9000004A  }
0xa8: {  	s0 =	sadd.s32 @!p0 $0x100000, s0;
	[bflag:$0x2] =	sbarrier.arrive $0xFFFF  }
0xa9: {  	[sflag:s0] =	ssyncadd.tile.s32 @!p0 $0x1;
	_ =	shalt  }
.Lfunc_end2:
_tile_overlayer_lowered:
.L_overlay_start_2:
0xaa: {  	(tag) =	ssettag $0x2  }
0xab: {  	s0 =	rddreg [dreg:$0x0];
	s2 =	stileid.u32  }
0xac: {  	s1 =	rddreg [dreg:$0x1];
	p0 =	sne.s32 s2, $0x0  }
0xad: {  	s3 =	rddreg [dreg:$0x2];
	[bflag:$0x3] =	sbarrier.arrive $0xFFFF;
	s2 =	simm.s32 @!p0 $0x1C03  }
0xae: {  	[timem:s3], [sflag:s2] =	dma.local @!p0 [hbm:s0], s1  }
0xaf: {  	s0 =	simm.s32 @!p0 $0x3  }
0xb0: {  	_ =	swait.ge @!p0 [sflag:s0], s1  }
0xb1: {  	s1 =	ssub.s32 @!p0 $0x0, s1;
	[sflag:s0] =	ssyncset.done @!p0 $0x0  }
0xb2: {  	[sflag:s0] =	ssyncadd.s32 @!p0 s1  }
0xb3: {  	[bflag:$0x3] =	sbarrier.arrive $0xFFFF  }
0xb4: {  	_ =	shalt  }

// kernel: kernel.14.cloned.1.call-start
scs
__scs_entry_jumppad:
0x0: {  	(pc) =	sbr.rel $0x88, $3  }
0x1: {  	(tag) =	ssettag $0x0;
	lr =	simm.s32 $0x1  }
0x2: {  	[smem:$0x3F9B] =	sst lr;
	_ =	strace $0xD0000000  }
0x3: {  	_ = 	snop  }
0x4: {  	_ = 	snop  }
0x5: {  	_ = 	snop  }
0x6: {  	_ = 	snop  }
0x7: {  	_ = 	snop  }
__scs_overlays_trampoline_lowered:
0x8: {  	[smem:$0x3FAA] =	sst s0  }
0x9: {  	[smem:$0x3FAB] =	sst s1  }
0xa: {  	[smem:$0x3FAC] =	sst s2  }
0xb: {  	[smem:$0x3FAD] =	sst s3  }
0xc: {  	[smem:$0x3FAE] =	sst s4  }
0xd: {  	[smem:$0x3FAF] =	sst s5  }
0xe: {  	[smem:$0x3FB0] =	sst s6  }
0xf: {  	[smem:$0x3FB1] =	sst s7  }
0x10: {  	[smem:$0x3FB2] =	sst s8  }
0x11: {  	[smem:$0x3FB3] =	sst s9;
	s0 =	simm.s32 @!p0 $0x0  }
0x12: {  	s1 =	sld [smem:$0x3F99];
	s0 =	simm.s32 @p0 $0x1  }
0x13: {  	[smem:$0x3FB4] =	sst s0;
	s0 =	simm.s32 @!p1 $0x0  }
0x14: {  	s2 =	sld [smem:$0x3F98];
	s0 =	simm.s32 @p1 $0x1  }
0x15: {  	[smem:$0x3FB5] =	sst s0;
	s0 =	simm.s32 @!p2 $0x0  }
0x16: {  	s3 =	sld [smem:$0x3FDB];
	s0 =	simm.s32 @p2 $0x1  }
0x17: {  	s4 =	simm.s32 $0x1BF5;
	[smem:$0x3FB7] =	sst s0  }
0x18: {  	s0 =	sld [smem:$0x3F9A];
	_ =	swait.ge [sflag:s4], $0x0  }
0x19: {  	s7 =	sld [smem:$0x3F9B]  }
0x1a: {  	s8 =	sadd.s32 $0xFFFFE003, lr  }
0x1b: {  	s9 =	sadd.s32 $0xFFFFFEF7, lr;
	s5 =	simm.s32 $0xFFFFFFFF;
	p2 =	slt.u32 s8, $0xFFFFF086  }
0x1c: {  	p1 =	slt.u32 s9, $0xF7A;
	s5 =	simm.s32 @!p2 $0x0  }
0x1d: {  	s5 =	simm.s32 @p1 $0x1;
	p0 =	seq.s32 s7, s2  }
0x1e: {  	s7 =	smul.u32 @!p0 $0xF7A, s2;
	p2 =	seq.s32 @!p0 s5, $0x0  }
0x1f: {  	s9 =	smul.u32 $0xF7A, s1;
	s8 =	simm.s32 @!p0 $0x1BF5;
	p2 =	por !p2, p0  }
0x20: {  	[sflag:s8] =	ssyncset.s32 @!p0 $0xFFFFF086;
	s6 =	sadd.s32 @!p0 s3, s7;
	s7 =	simm.s32 @!p0 $0x108  }
0x21: {  	s3 =	sadd.s32 s3, s9;
	s6 =	sadd.s32 @!p0 $0x88, s6;
	s7 =	simm.s32 @p2 $0x1082  }
0x22: {  	[simem:s7], [sflag:s8] =	dma.local @!p0 [hbm:s6], $0xF7A  }
0x23: {  	s9 =	sor.u32 $0xD0000000, s2;
	s6 =	simm.s32 $0x108;
	_ =	swait.ge @!p0 [sflag:s8], $0x0  }
0x24: {  	s3 =	sadd.s32 $0x88, s3;
	s6 =	simm.s32 @!p1 $0x1082;
	[sflag:s4] =	ssyncset.s32 $0xFFFFF086  }
0x25: {  	[simem:s6], [sflag:s4] =	dma.local [hbm:s3], $0xF7A  }
0x26: {  	[smem:$0x3F9B] =	sst s1;
	(tag) =	ssettag s2;
	_ =	strace s9  }
0x27: {  	s1 =	sld [smem:$0x3FAB]  }
0x28: {  	s2 =	sld [smem:$0x3FAC]  }
0x29: {  	s4 =	sld [smem:$0x3FAE]  }
0x2a: {  	p0 =	seq.s32 s5, $0x0;
	s5 =	sld [smem:$0x3FAF]  }
0x2b: {  	s6 =	sld [smem:$0x3FB0]  }
0x2c: {  	s7 =	sld [smem:$0x3FB1]  }
0x2d: {  	s3 =	simm.s32 $0x108;
	s8 =	sld [smem:$0x3FB2]  }
0x2e: {  	s3 =	simm.s32 @!p0 $0x1082;
	s9 =	sld [smem:$0x3FB3]  }
0x2f: {  	lr =	sadd.s32 s0, s3;
	s0 =	sld [smem:$0x3FAA]  }
0x30: {  	s3 =	sld [smem:$0x3FAD]  }
0x31: {  	[smem:$0x3FB6] =	sst s10  }
0x32: {  	s10 =	sld [smem:$0x3FB4];
	_ =	sdelay $0x3  }
0x33: {  	p0 =	seq.s32 s10, $0x1;
	s10 =	sld [smem:$0x3FB6];
	_ =	sdelay $0x3  }
0x34: {  	[smem:$0x3FB6] =	sst s10  }
0x35: {  	s10 =	sld [smem:$0x3FB5];
	_ =	sdelay $0x3  }
0x36: {  	p1 =	seq.s32 s10, $0x1;
	s10 =	sld [smem:$0x3FB6];
	_ =	sdelay $0x3  }
0x37: {  	[smem:$0x3FB6] =	sst s10  }
0x38: {  	s10 =	sld [smem:$0x3FB7]  }
0x39: {  	_ = 	snop;
	(pc) =	sbr.ind lr, $3  }
0x3a: {  	_ = 	snop  }
0x3b: {  	_ = 	snop  }
0x3c: {  	p2 =	seq.s32 s10, $0x1;
	s10 =	sld [smem:$0x3FB6]  }
0x3d: {  	_ =	shalt  }
0x3e: {  	_ =	shalt  }
0x3f: {  	_ =	shalt  }
0x40: {  	_ =	shalt  }
0x41: {  	_ =	shalt  }
0x42: {  	_ =	shalt  }
0x43: {  	_ =	shalt  }
0x44: {  	_ =	shalt  }
0x45: {  	_ =	shalt  }
0x46: {  	_ =	shalt  }
0x47: {  	_ =	shalt  }
0x48: {  	_ =	shalt  }
0x49: {  	_ =	shalt  }
0x4a: {  	_ =	shalt  }
0x4b: {  	_ =	shalt  }
0x4c: {  	_ =	shalt  }
0x4d: {  	_ =	shalt  }
0x4e: {  	_ =	shalt  }
0x4f: {  	_ =	shalt  }
0x50: {  	_ =	shalt  }
0x51: {  	_ =	shalt  }
0x52: {  	_ =	shalt  }
0x53: {  	_ =	shalt  }
0x54: {  	_ =	shalt  }
0x55: {  	_ =	shalt  }
0x56: {  	_ =	shalt  }
0x57: {  	_ =	shalt  }
0x58: {  	_ =	shalt  }
0x59: {  	_ =	shalt  }
0x5a: {  	_ =	shalt  }
0x5b: {  	_ =	shalt  }
0x5c: {  	_ =	shalt  }
0x5d: {  	_ =	shalt  }
0x5e: {  	_ =	shalt  }
0x5f: {  	_ =	shalt  }
0x60: {  	_ =	shalt  }
0x61: {  	_ =	shalt  }
0x62: {  	_ =	shalt  }
0x63: {  	_ =	shalt  }
0x64: {  	_ =	shalt  }
0x65: {  	_ =	shalt  }
0x66: {  	_ =	shalt  }
0x67: {  	_ =	shalt  }
0x68: {  	_ =	shalt  }
0x69: {  	_ =	shalt  }
0x6a: {  	_ =	shalt  }
0x6b: {  	_ =	shalt  }
0x6c: {  	_ =	shalt  }
0x6d: {  	_ =	shalt  }
0x6e: {  	_ =	shalt  }
0x6f: {  	_ =	shalt  }
0x70: {  	_ =	shalt  }
0x71: {  	_ =	shalt  }
0x72: {  	_ =	shalt  }
0x73: {  	_ =	shalt  }
0x74: {  	_ =	shalt  }
0x75: {  	_ =	shalt  }
0x76: {  	_ =	shalt  }
0x77: {  	_ =	shalt  }
0x78: {  	_ =	shalt  }
0x79: {  	_ =	shalt  }
0x7a: {  	_ =	shalt  }
0x7b: {  	_ =	shalt  }
0x7c: {  	_ =	shalt  }
0x7d: {  	_ =	shalt  }
0x7e: {  	_ =	shalt  }
0x7f: {  	_ =	shalt  }
0x80: {  	_ =	shalt  }
0x81: {  	_ =	shalt  }
0x82: {  	_ =	shalt  }
0x83: {  	_ =	shalt  }
0x84: {  	_ =	shalt  }
0x85: {  	_ =	shalt  }
0x86: {  	_ =	shalt  }
0x87: {  	_ =	shalt  }
.Lfunc_end0:
.L_simem_size_0:
called_computation.2_lowered:
.L_overlay_start_0:
0x88: {  	s2 =	sld [smem:$0x3FD9]  }
0x89: {  	s3 =	sld [smem:$0x3FFE];
	_ =	sdelay $0x1  }
0x8a: {  	s1 =	srdreg.scid  }
0x8b: {  	s0 =	sand.u32 $0x1, s1  }
0x8c: {  	s17 =	sshll.u32 s0, $0xA;
	s2 =	sadd.s32 s3, s2  }
0x8d: {  	s2 =	sadd.s32 s2, s17  }
0x8e: {  	[smem:$0x3FC2] =	sst s2  }
0x8f: {  	_ = 	snop  }
0x90: {  	s2 =	sld [smem:$0x3FD0];
	(tm) =	ssettm $0x1  }
0x91: {  	s18 =	sld [smem:$0x3FFB];
	_ =	sdelay $0x3  }
0x92: {  	_ =	strace s18  }
0x93: {  	s3 =	sld [smem:$0x3FFC];
	_ =	sdelay $0x3  }
0x94: {  	_ =	strace s3  }
0x95: {  	s3 =	sld [smem:$0x3FFD];
	_ =	sdelay $0x3  }
0x96: {  	_ =	strace s3  }
0x97: {  	_ =	strace $0x8FFFFFFF  }
0x98: {  	s19 =	sld [smem:$0x3FDB];
	_ =	sdelay $0x1  }
0x99: {  	s4 =	simm.s32 $_scs_section_size  }
0x9a: {  	s5 =	simm.s32 $_size__tile_overlayer_lowered;
	s6 =	simm.s32 $_tile_overlayer_lowered  }
0x9b: {  	s22 =	simm.s32 $0x1BFF;
	s21 =	sshll.u32 s6, $0x1;
	s3 =	sadd.s32 s4, s19  }
0x9c: {  	s7 =	simm.s32 $0x0;
	s20 =	sshll.u32 s5, $0x1;
	s5 =	sadd.s32 s21, s3  }
0x9d: {  	[timem:s7], [sflag:s22] =	dma.local [hbm:s5], s20  }
0x9e: {  	_ =	swait.ge [sflag:s22], s20  }
0x9f: {  	s4 =	ssub.s32 $0x0, s20;
	[sflag:s22] =	ssyncset.done $0x0  }
0xa0: {  	[sflag:s22] =	ssyncadd.s32 s4;
	_ =	sdelay $0x1  }
0xa1: {  	s23 =	simm.s32 $0x1B8B  }
0xa2: {  	_ =	swait.ge [sflag:s23], $0x1  }
0xa3: {  	[sflag:s23] =	ssyncset.done $0x0  }
0xa4: {  	s25 =	simm.s32 $0x1B8E;
	s24 =	sld [smem:$0x3FFE];
	[sflag:s23] =	ssyncadd.s32 $0xFFFFFFFF  }
0xa5: {  	s26 =	simm.s32 $execute0_lowered;
	[smem:$0x3FD2] =	sst s25  }
0xa6: {  	s5 =	sshll.u32 s26, $0x1;
	_ =	strace $0x8000004C;
	[dreg:$0x1] =	wrdreg $0xFFFFFFFF  }
0xa7: {  	s28 =	simm.s32 $_size_execute0_lowered;
	s3 =	sadd.s32 s3, s5;
	[dreg:$0x0] =	wrdreg $0x0  }
0xa8: {  	s5 =	sshll.u32 s28, $0x1;
	[dreg:$0x2] =	wrdreg s3  }
0xa9: {  	[dreg:$0x3] =	wrdreg s5  }
0xaa: {  	[dreg:$0x4] =	wrdreg $0xC0  }
0xab: {  	_ =	task [dreg:s7], $0x5FFFF  }
0xac: {  	[dreg:$0x1] =	wrdreg $0xFFFFFFFF  }
0xad: {  	[dreg:$0x0] =	wrdreg $0x60  }
0xae: {  	[dreg:$0x2] =	wrdreg s2  }
0xaf: {  	[dreg:$0x3] =	wrdreg s24  }
0xb0: {  	[dreg:$0x4] =	wrdreg $0x9  }
0xb1: {  	_ =	task.clear_ibuf [dreg:s7], $0x5FFFF;
	_ =	strace $0x9000004C  }
0xb2: {  	s29 =	simm.s32 $0x9;
	_ =	strace $0x8000004E  }
0xb3: {  	_ =	swait.ge [sflag:s29], $0x1  }
0xb4: {  	[sflag:s29] =	ssyncadd.s32 $0xFFFFFFFF  }
0xb5: {  	_ =	strace $0x9000004E  }
0xb6: {  	_ =	sfence  }
0xb7: {  	s30 =	sld [smem:$0x0];
	_ =	sdelay $0x2  }
0xb8: {  	s31 =	sshll.u32 s1, $0xD;
	s1 =	sshrl.u32 s1, $0x2  }
0xb9: {  	s3 =	sand.u32 $0x4000, s31;
	s1 =	sadd.s32 s1, s30  }
0xba: {  	s0 =	sor.u32 s3, s0;
	s1 =	sshll.u32 s1, $0x11  }
0xbb: {  	s0 =	sor.u32 s1, s0  }
0xbc: {  	s0 =	sadd.s32 $0x8F2B, s0  }
0xbd: {  	[sflag:s0] =	ssyncadd.remote.s32 $0x1  }
0xbe: {  	_ =	sfence.sel $0xFFFF  }
0xbf: {  	[dreg:$0x0] =	wrdreg $0xFFFFFFFF;
	(pc) =	sbr.abs _section_cstart, $3  }
0xc0: {  	[dreg:$0x1] =	wrdreg $0xFFFFFFFF  }
0xc1: {  	_ =	task.clear_ibuf [dreg:s7], $0x2FFFF;
	_ =	strace $0x9FFFFFFF  }
0xc2: {  	(tm) =	ssettm $0x7FFFFFFF  }
0xc3: {  	_ =	shalt  }
tec
execute0_lowered:
.L_overlay_start_1:
0x0: {  	(tag) =	ssettag $0x1  }
0x1: {  	s1 =	rddreg [dreg:$0x0];
	s2 =	srdreg.scid  }
0x2: {  	s0 =	stileid.u32;
	s6 =	rddreg [dreg:$0x1];
	s8 =	simm.s32 $0x1  }
0x3: {  	s9 =	simm.s32 $0x80;
	s10 =	simm.s32 $0x400;
	s11 =	simm.s32 $0x2780  }
0x4: {  	s12 =	simm.s32 $0x4F00;
	s13 =	simm.s32 $0x7680;
	s14 =	simm.s32 $0x0  }
0x5: {  	s4 =	sand.u32 $0x1, s2;
	s28 =	sshrl.u32 s0, $0x2;
	s3 =	sshll.u32 s0, $0x8  }
0x6: {  	s5 =	smul.u32 $0x13C00, s28;
	s29 =	sshll.u32 s4, $0x7;
	s3 =	sand.u32 $0x300, s3  }
0x7: {  	s2 =	rddreg [dreg:$0x2];
	s4 =	ssub.s32 $0x2, s4;
	s7 =	sor.u32 s29, s3  }
0x8: {  	s3 =	simm.s32 $0x0;
	s30 =	sshrl.u32 s4, $0x1;
	s5 =	sor.u32 s5, s7  }
0x9: {  	[smem:$0x7FF] =	sst s3;
	s31 =	ssub.s32 s4, s30;
	s5 =	sshrl.u32 s5, $0x3  }
0xa: {  	_ =	strace $0x8000004D;
	s7 =	smax.u32 s31, $0x1;
	s6 =	sadd.s32 s5, s6  }
0xb: {  	v0 =	vimm.f32 $0.0e+00;
	s4 =	sadd.s32 $0x9F800, s6;
	s5 =	sadd.s32 $0x1A00, s6;
	s6 =	sadd.s32 $0xB800, s6  }
.LBB2_1:
0xc: {  	[tilespmem:s3], [sflag:$0x1] =	stream.linear.gather [hbm4b:s1+s3], $0x2780, $0x38;
	[tilespmem:$0x9E00] =	vst v63  }
0xd: {  	_ =	swait.ge [sflag:s8], $0x2780  }
0xe: {  	[sflag:s8] =	ssyncset.done $0x0  }
0xf: {  	[sflag:s8] =	ssyncadd.s32 $0xFFFFD880  }
0x10: {  	[tilespmem:s11], [sflag:$0x1] =	stream.strided.gather [hbm4b:s4+s9], $0x2780, s10, s9, $0x38;
	[tilespmem:$0x9E00] =	vst v63  }
0x11: {  	_ =	swait.ge [sflag:s8], $0x2780  }
0x12: {  	[sflag:s8] =	ssyncset.done $0x0  }
0x13: {  	[sflag:s8] =	ssyncadd.s32 $0xFFFFD880  }
0x14: {  	[tilespmem:s12], [sflag:$0x1] =	stream.strided.gather [hbm4b:s5+s9], $0x2780, s10, s9, $0x38;
	[tilespmem:$0x9E00] =	vst v63  }
0x15: {  	_ =	swait.ge [sflag:s8], $0x2780  }
0x16: {  	[sflag:s8] =	ssyncset.done $0x0  }
0x17: {  	s15 =	simm.s32 $0x0;
	[sflag:s8] =	ssyncadd.s32 $0xFFFFD880  }
.LBB2_2:
0x18: {  	p0 =	sne.s32 s15, $0x9C00  }
.Ltmp0:
0x19: {  	_ = 	snop;
	(pc) =	sbr.rel @p0 .LBB2_2-.Ltmp0, $3  }
0x1a: {  	_ =	sdelay $0x1  }
0x1b: {  	s16 =	sshra.s32 s15, $0x2  }
0x1c: {  	s15 =	sadd.s32 $0x40, s15;
	[tilespmem:s16+$0x7680] =	vst v0  }
0x1d: {  	s16 =	simm.s32 $0x0;
	s15 =	simm.s32 $0x40  }
.LBB2_4:
0x1e: {  	p0 =	sne.s32 s15, $0x9C00;
	v1 =	vld [tilespmem:s16+$0x2780];
	_ =	sdelay $0x5  }
0x1f: {  	v2 =	vld [tilespmem:s16+$0x4F00];
	_ =	sdelay $0x1  }
0x20: {  	v1 =	vld.idx.msk [tilespmem:v1+s3+$0x0], $0xffff;
	_ =	sdelay $0x1  }
.Ltmp1:
0x21: {  	(pc) =	sbr.rel @p0 .LBB2_4-.Ltmp1, $2  }
0x22: {  	_ =	sdelay $0x2  }
0x23: {  	s16 =	sshra.s32 s15, $0x2;
	s15 =	sadd.s32 $0x40, s15;
	[tilespmem:v2+s13+$0x0] =	vst.idx.add.f32.msk $0xffff, v1  }
0x24: {  	v1 =	vld [tilespmem:s16+$0x2780];
	_ =	sdelay $0x4  }
0x25: {  	v2 =	vld [tilespmem:s16+$0x4F00];
	_ =	sdelay $0x2  }
0x26: {  	v1 =	vld.idx.msk [tilespmem:v1+s3+$0x0], $0xffff;
	_ =	sdelay $0x2  }
0x27: {  	s14 =	sadd.s32 $0x1, s14  }
0x28: {  	p0 =	sne.s32 s14, s7  }
.Ltmp2:
0x29: {  	[tilespmem:v2+s13+$0x0] =	vst.idx.add.f32.msk $0xffff, v1;
	(pc) =	sbr.rel @p0 .LBB2_1-.Ltmp2, $4  }
0x2a: {  	[hbm4b:s6+s9] =	stream.strided.scatter [tilespmem:s13], [sflag:$0x1], $0x2780, s10, s9, $0x38;
	[tilespmem:$0x9E00] =	vst v63  }
0x2b: {  	_ =	swait.ge [sflag:s8], $0x2780  }
0x2c: {  	[sflag:s8] =	ssyncset.done $0x0  }
0x2d: {  	[sflag:s8] =	ssyncadd.s32 $0xFFFFD880  }
0x2e: {  	_ =	sfence.sel $0x180000  }
0x2f: {  	[bflag:$0x0] =	sbarrier.arrive $0xFFFF  }
0x30: {  	p0 =	sne.s32 s0, $0x0;
	_ =	strace $0x9000004D  }
0x31: {  	s0 =	sadd.s32 @!p0 $0x100000, s2;
	[bflag:$0x2] =	sbarrier.arrive $0xFFFF  }
0x32: {  	[sflag:s0] =	ssyncadd.tile.s32 @!p0 $0x1;
	_ =	shalt  }
.Lfunc_end2:
_tile_overlayer_lowered:
.L_overlay_start_2:
0x33: {  	(tag) =	ssettag $0x2  }
0x34: {  	s0 =	rddreg [dreg:$0x0];
	s2 =	stileid.u32  }
0x35: {  	s1 =	rddreg [dreg:$0x1];
	p0 =	sne.s32 s2, $0x0  }
0x36: {  	s3 =	rddreg [dreg:$0x2];
	[bflag:$0x3] =	sbarrier.arrive $0xFFFF;
	s2 =	simm.s32 @!p0 $0x1C01  }
0x37: {  	[timem:s3], [sflag:s2] =	dma.local @!p0 [hbm:s0], s1  }
0x38: {  	s0 =	simm.s32 @!p0 $0x1  }
0x39: {  	_ =	swait.ge @!p0 [sflag:s0], s1  }
0x3a: {  	s1 =	ssub.s32 @!p0 $0x0, s1;
	[sflag:s0] =	ssyncset.done @!p0 $0x0  }
0x3b: {  	[sflag:s0] =	ssyncadd.s32 @!p0 s1  }
0x3c: {  	[bflag:$0x3] =	sbarrier.arrive $0xFFFF  }
0x3d: {  	_ =	shalt  }

// kernel: kernel.8.cloned.1.call-start
scs
__scs_entry_jumppad:
0x0: {  	(pc) =	sbr.rel $0x88, $3  }
0x1: {  	(tag) =	ssettag $0x0;
	lr =	simm.s32 $0x1  }
0x2: {  	[smem:$0x3F9B] =	sst lr;
	_ =	strace $0xD0000000  }
0x3: {  	_ = 	snop  }
0x4: {  	_ = 	snop  }
0x5: {  	_ = 	snop  }
0x6: {  	_ = 	snop  }
0x7: {  	_ = 	snop  }
__scs_overlays_trampoline_lowered:
0x8: {  	[smem:$0x3FAA] =	sst s0  }
0x9: {  	[smem:$0x3FAB] =	sst s1  }
0xa: {  	[smem:$0x3FAC] =	sst s2  }
0xb: {  	[smem:$0x3FAD] =	sst s3  }
0xc: {  	[smem:$0x3FAE] =	sst s4  }
0xd: {  	[smem:$0x3FAF] =	sst s5  }
0xe: {  	[smem:$0x3FB0] =	sst s6  }
0xf: {  	[smem:$0x3FB1] =	sst s7  }
0x10: {  	[smem:$0x3FB2] =	sst s8  }
0x11: {  	[smem:$0x3FB3] =	sst s9;
	s0 =	simm.s32 @!p0 $0x0  }
0x12: {  	s1 =	sld [smem:$0x3F99];
	s0 =	simm.s32 @p0 $0x1  }
0x13: {  	[smem:$0x3FB4] =	sst s0;
	s0 =	simm.s32 @!p1 $0x0  }
0x14: {  	s2 =	sld [smem:$0x3F98];
	s0 =	simm.s32 @p1 $0x1  }
0x15: {  	[smem:$0x3FB5] =	sst s0;
	s0 =	simm.s32 @!p2 $0x0  }
0x16: {  	s3 =	sld [smem:$0x3FDB];
	s0 =	simm.s32 @p2 $0x1  }
0x17: {  	s4 =	simm.s32 $0x1BF5;
	[smem:$0x3FB7] =	sst s0  }
0x18: {  	s0 =	sld [smem:$0x3F9A];
	_ =	swait.ge [sflag:s4], $0x0  }
0x19: {  	s7 =	sld [smem:$0x3F9B]  }
0x1a: {  	s8 =	sadd.s32 $0xFFFFE003, lr  }
0x1b: {  	s9 =	sadd.s32 $0xFFFFFEF7, lr;
	s5 =	simm.s32 $0xFFFFFFFF;
	p2 =	slt.u32 s8, $0xFFFFF086  }
0x1c: {  	p1 =	slt.u32 s9, $0xF7A;
	s5 =	simm.s32 @!p2 $0x0  }
0x1d: {  	s5 =	simm.s32 @p1 $0x1;
	p0 =	seq.s32 s7, s2  }
0x1e: {  	s7 =	smul.u32 @!p0 $0xF7A, s2;
	p2 =	seq.s32 @!p0 s5, $0x0  }
0x1f: {  	s9 =	smul.u32 $0xF7A, s1;
	s8 =	simm.s32 @!p0 $0x1BF5;
	p2 =	por !p2, p0  }
0x20: {  	[sflag:s8] =	ssyncset.s32 @!p0 $0xFFFFF086;
	s6 =	sadd.s32 @!p0 s3, s7;
	s7 =	simm.s32 @!p0 $0x108  }
0x21: {  	s3 =	sadd.s32 s3, s9;
	s6 =	sadd.s32 @!p0 $0x88, s6;
	s7 =	simm.s32 @p2 $0x1082  }
0x22: {  	[simem:s7], [sflag:s8] =	dma.local @!p0 [hbm:s6], $0xF7A  }
0x23: {  	s9 =	sor.u32 $0xD0000000, s2;
	s6 =	simm.s32 $0x108;
	_ =	swait.ge @!p0 [sflag:s8], $0x0  }
0x24: {  	s3 =	sadd.s32 $0x88, s3;
	s6 =	simm.s32 @!p1 $0x1082;
	[sflag:s4] =	ssyncset.s32 $0xFFFFF086  }
0x25: {  	[simem:s6], [sflag:s4] =	dma.local [hbm:s3], $0xF7A  }
0x26: {  	[smem:$0x3F9B] =	sst s1;
	(tag) =	ssettag s2;
	_ =	strace s9  }
0x27: {  	s1 =	sld [smem:$0x3FAB]  }
0x28: {  	s2 =	sld [smem:$0x3FAC]  }
0x29: {  	s4 =	sld [smem:$0x3FAE]  }
0x2a: {  	p0 =	seq.s32 s5, $0x0;
	s5 =	sld [smem:$0x3FAF]  }
0x2b: {  	s6 =	sld [smem:$0x3FB0]  }
0x2c: {  	s7 =	sld [smem:$0x3FB1]  }
0x2d: {  	s3 =	simm.s32 $0x108;
	s8 =	sld [smem:$0x3FB2]  }
0x2e: {  	s3 =	simm.s32 @!p0 $0x1082;
	s9 =	sld [smem:$0x3FB3]  }
0x2f: {  	lr =	sadd.s32 s0, s3;
	s0 =	sld [smem:$0x3FAA]  }
0x30: {  	s3 =	sld [smem:$0x3FAD]  }
0x31: {  	[smem:$0x3FB6] =	sst s10  }
0x32: {  	s10 =	sld [smem:$0x3FB4];
	_ =	sdelay $0x3  }
0x33: {  	p0 =	seq.s32 s10, $0x1;
	s10 =	sld [smem:$0x3FB6];
	_ =	sdelay $0x3  }
0x34: {  	[smem:$0x3FB6] =	sst s10  }
0x35: {  	s10 =	sld [smem:$0x3FB5];
	_ =	sdelay $0x3  }
0x36: {  	p1 =	seq.s32 s10, $0x1;
	s10 =	sld [smem:$0x3FB6];
	_ =	sdelay $0x3  }
0x37: {  	[smem:$0x3FB6] =	sst s10  }
0x38: {  	s10 =	sld [smem:$0x3FB7]  }
0x39: {  	_ = 	snop;
	(pc) =	sbr.ind lr, $3  }
0x3a: {  	_ = 	snop  }
0x3b: {  	_ = 	snop  }
0x3c: {  	p2 =	seq.s32 s10, $0x1;
	s10 =	sld [smem:$0x3FB6]  }
0x3d: {  	_ =	shalt  }
0x3e: {  	_ =	shalt  }
0x3f: {  	_ =	shalt  }
0x40: {  	_ =	shalt  }
0x41: {  	_ =	shalt  }
0x42: {  	_ =	shalt  }
0x43: {  	_ =	shalt  }
0x44: {  	_ =	shalt  }
0x45: {  	_ =	shalt  }
0x46: {  	_ =	shalt  }
0x47: {  	_ =	shalt  }
0x48: {  	_ =	shalt  }
0x49: {  	_ =	shalt  }
0x4a: {  	_ =	shalt  }
0x4b: {  	_ =	shalt  }
0x4c: {  	_ =	shalt  }
0x4d: {  	_ =	shalt  }
0x4e: {  	_ =	shalt  }
0x4f: {  	_ =	shalt  }
0x50: {  	_ =	shalt  }
0x51: {  	_ =	shalt  }
0x52: {  	_ =	shalt  }
0x53: {  	_ =	shalt  }
0x54: {  	_ =	shalt  }
0x55: {  	_ =	shalt  }
0x56: {  	_ =	shalt  }
0x57: {  	_ =	shalt  }
0x58: {  	_ =	shalt  }
0x59: {  	_ =	shalt  }
0x5a: {  	_ =	shalt  }
0x5b: {  	_ =	shalt  }
0x5c: {  	_ =	shalt  }
0x5d: {  	_ =	shalt  }
0x5e: {  	_ =	shalt  }
0x5f: {  	_ =	shalt  }
0x60: {  	_ =	shalt  }
0x61: {  	_ =	shalt  }
0x62: {  	_ =	shalt  }
0x63: {  	_ =	shalt  }
0x64: {  	_ =	shalt  }
0x65: {  	_ =	shalt  }
0x66: {  	_ =	shalt  }
0x67: {  	_ =	shalt  }
0x68: {  	_ =	shalt  }
0x69: {  	_ =	shalt  }
0x6a: {  	_ =	shalt  }
0x6b: {  	_ =	shalt  }
0x6c: {  	_ =	shalt  }
0x6d: {  	_ =	shalt  }
0x6e: {  	_ =	shalt  }
0x6f: {  	_ =	shalt  }
0x70: {  	_ =	shalt  }
0x71: {  	_ =	shalt  }
0x72: {  	_ =	shalt  }
0x73: {  	_ =	shalt  }
0x74: {  	_ =	shalt  }
0x75: {  	_ =	shalt  }
0x76: {  	_ =	shalt  }
0x77: {  	_ =	shalt  }
0x78: {  	_ =	shalt  }
0x79: {  	_ =	shalt  }
0x7a: {  	_ =	shalt  }
0x7b: {  	_ =	shalt  }
0x7c: {  	_ =	shalt  }
0x7d: {  	_ =	shalt  }
0x7e: {  	_ =	shalt  }
0x7f: {  	_ =	shalt  }
0x80: {  	_ =	shalt  }
0x81: {  	_ =	shalt  }
0x82: {  	_ =	shalt  }
0x83: {  	_ =	shalt  }
0x84: {  	_ =	shalt  }
0x85: {  	_ =	shalt  }
0x86: {  	_ =	shalt  }
0x87: {  	_ =	shalt  }
.Lfunc_end0:
.L_simem_size_0:
called_computation_lowered:
.L_overlay_start_0:
0x88: {  	s2 =	sld [smem:$0x3FD9]  }
0x89: {  	s3 =	sld [smem:$0x3FFE];
	_ =	sdelay $0x1  }
0x8a: {  	s1 =	srdreg.scid  }
0x8b: {  	s0 =	sand.u32 $0x1, s1  }
0x8c: {  	s17 =	sshll.u32 s0, $0xA;
	s2 =	sadd.s32 s3, s2  }
0x8d: {  	s2 =	sadd.s32 s2, s17  }
0x8e: {  	[smem:$0x3FC2] =	sst s2  }
0x8f: {  	_ = 	snop  }
0x90: {  	s2 =	sld [smem:$0x3FD0];
	(tm) =	ssettm $0x1  }
0x91: {  	s18 =	sld [smem:$0x3FFB];
	_ =	sdelay $0x3  }
0x92: {  	_ =	strace s18  }
0x93: {  	s3 =	sld [smem:$0x3FFC];
	_ =	sdelay $0x3  }
0x94: {  	_ =	strace s3  }
0x95: {  	s3 =	sld [smem:$0x3FFD];
	_ =	sdelay $0x3  }
0x96: {  	_ =	strace s3  }
0x97: {  	_ =	strace $0x8FFFFFFF  }
0x98: {  	s19 =	sld [smem:$0x3FDB];
	_ =	sdelay $0x1  }
0x99: {  	s4 =	simm.s32 $_scs_section_size  }
0x9a: {  	s5 =	simm.s32 $_size__tile_overlayer_lowered;
	s6 =	simm.s32 $_tile_overlayer_lowered  }
0x9b: {  	s22 =	simm.s32 $0x1BFF;
	s21 =	sshll.u32 s6, $0x1;
	s3 =	sadd.s32 s4, s19  }
0x9c: {  	s7 =	simm.s32 $0x0;
	s20 =	sshll.u32 s5, $0x1;
	s5 =	sadd.s32 s21, s3  }
0x9d: {  	[timem:s7], [sflag:s22] =	dma.local [hbm:s5], s20  }
0x9e: {  	_ =	swait.ge [sflag:s22], s20  }
0x9f: {  	s4 =	ssub.s32 $0x0, s20;
	[sflag:s22] =	ssyncset.done $0x0  }
0xa0: {  	[sflag:s22] =	ssyncadd.s32 s4;
	_ =	sdelay $0x1  }
0xa1: {  	s23 =	simm.s32 $0x1B8B  }
0xa2: {  	_ =	swait.ge [sflag:s23], $0x1  }
0xa3: {  	[sflag:s23] =	ssyncset.done $0x0  }
0xa4: {  	s25 =	simm.s32 $0x1B8E;
	s24 =	sld [smem:$0x3FFE];
	[sflag:s23] =	ssyncadd.s32 $0xFFFFFFFF  }
0xa5: {  	s26 =	simm.s32 $execute0_lowered;
	[smem:$0x3FD2] =	sst s25  }
0xa6: {  	s5 =	sshll.u32 s26, $0x1;
	_ =	strace $0x80000046;
	[dreg:$0x1] =	wrdreg $0xFFFFFFFF  }
0xa7: {  	s28 =	simm.s32 $_size_execute0_lowered;
	s3 =	sadd.s32 s3, s5;
	[dreg:$0x0] =	wrdreg $0x0  }
0xa8: {  	s5 =	sshll.u32 s28, $0x1;
	[dreg:$0x2] =	wrdreg s3  }
0xa9: {  	[dreg:$0x3] =	wrdreg s5  }
0xaa: {  	[dreg:$0x4] =	wrdreg $0xC0  }
0xab: {  	_ =	task [dreg:s7], $0x5FFFF  }
0xac: {  	[dreg:$0x1] =	wrdreg $0xFFFFFFFF  }
0xad: {  	[dreg:$0x0] =	wrdreg $0x60  }
0xae: {  	[dreg:$0x2] =	wrdreg s2  }
0xaf: {  	[dreg:$0x3] =	wrdreg s24  }
0xb0: {  	[dreg:$0x4] =	wrdreg $0x9  }
0xb1: {  	_ =	task.clear_ibuf [dreg:s7], $0x5FFFF;
	_ =	strace $0x90000046  }
0xb2: {  	s29 =	simm.s32 $0x9;
	_ =	strace $0x80000048  }
0xb3: {  	_ =	swait.ge [sflag:s29], $0x1  }
0xb4: {  	[sflag:s29] =	ssyncadd.s32 $0xFFFFFFFF  }
0xb5: {  	_ =	strace $0x90000048  }
0xb6: {  	_ =	sfence  }
0xb7: {  	s30 =	sld [smem:$0x0];
	_ =	sdelay $0x2  }
0xb8: {  	s31 =	sshll.u32 s1, $0xD;
	s1 =	sshrl.u32 s1, $0x2  }
0xb9: {  	s3 =	sand.u32 $0x4000, s31;
	s1 =	sadd.s32 s1, s30  }
0xba: {  	s0 =	sor.u32 s3, s0;
	s1 =	sshll.u32 s1, $0x11  }
0xbb: {  	s0 =	sor.u32 s1, s0  }
0xbc: {  	s0 =	sadd.s32 $0x8F2B, s0  }
0xbd: {  	[sflag:s0] =	ssyncadd.remote.s32 $0x1  }
0xbe: {  	_ =	sfence.sel $0xFFFF  }
0xbf: {  	[dreg:$0x0] =	wrdreg $0xFFFFFFFF;
	(pc) =	sbr.abs _section_cstart, $3  }
0xc0: {  	[dreg:$0x1] =	wrdreg $0xFFFFFFFF  }
0xc1: {  	_ =	task.clear_ibuf [dreg:s7], $0x2FFFF;
	_ =	strace $0x9FFFFFFF  }
0xc2: {  	(tm) =	ssettm $0x7FFFFFFF  }
0xc3: {  	_ =	shalt  }
tec
execute0_lowered:
.L_overlay_start_1:
0x0: {  	(tag) =	ssettag $0x1  }
0x1: {  	s1 =	rddreg [dreg:$0x0];
	s2 =	srdreg.scid  }
0x2: {  	s0 =	stileid.u32;
	s6 =	rddreg [dreg:$0x1]  }
0x3: {  	s7 =	simm.s32 $0x1;
	s8 =	simm.s32 $0x80;
	s9 =	simm.s32 $0x400  }
0x4: {  	s10 =	simm.s32 $0x2780;
	s11 =	simm.s32 $0x4F00;
	s12 =	simm.s32 $0x7680  }
0x5: {  	s4 =	sand.u32 $0x1, s2;
	s29 =	sshrl.u32 s0, $0x2;
	s3 =	sshll.u32 s0, $0x8  }
0x6: {  	s5 =	smul.u32 $0x13C00, s29;
	s30 =	sshll.u32 s4, $0x7;
	s3 =	sand.u32 $0x300, s3  }
0x7: {  	s13 =	simm.s32 $0x0;
	s2 =	rddreg [dreg:$0x2];
	s3 =	sor.u32 s30, s3  }
0x8: {  	s4 =	ssub.s32 $0x2, s4;
	s5 =	sor.u32 s5, s3;
	s3 =	simm.s32 $0x0  }
0x9: {  	s31 =	sshrl.u32 s4, $0x1;
	s5 =	sshrl.u32 s5, $0x3;
	[smem:$0x7FF] =	sst s3  }
0xa: {  	s5 =	sadd.s32 s5, s6;
	_ =	strace $0x80000047;
	s6 =	ssub.s32 s4, s31  }
0xb: {  	v0 =	vimm.f32 $0.0e+00;
	s4 =	sadd.s32 $0x1A00, s5;
	s5 =	sadd.s32 $0xB800, s5;
	s6 =	smax.u32 s6, $0x1  }
.LBB2_1:
0xc: {  	[tilespmem:s3], [sflag:$0x1] =	stream.linear.gather [hbm4b:s1+s3], $0x2780, $0x38;
	[tilespmem:$0x9E00] =	vst v63  }
0xd: {  	_ =	swait.ge [sflag:s7], $0x2780  }
0xe: {  	[sflag:s7] =	ssyncset.done $0x0  }
0xf: {  	[sflag:s7] =	ssyncadd.s32 $0xFFFFD880  }
0x10: {  	[tilespmem:s10], [sflag:$0x1] =	stream.strided.gather [hbm4b:s4+s8], $0x2780, s9, s8, $0x38;
	[tilespmem:$0x9E00] =	vst v63  }
0x11: {  	_ =	swait.ge [sflag:s7], $0x2780  }
0x12: {  	[sflag:s7] =	ssyncset.done $0x0  }
0x13: {  	[sflag:s7] =	ssyncadd.s32 $0xFFFFD880  }
0x14: {  	[tilespmem:s11], [sflag:$0x1] =	stream.strided.gather [hbm4b:s4+s8], $0x2780, s9, s8, $0x38;
	[tilespmem:$0x9E00] =	vst v63  }
0x15: {  	_ =	swait.ge [sflag:s7], $0x2780  }
0x16: {  	[sflag:s7] =	ssyncset.done $0x0  }
0x17: {  	s14 =	simm.s32 $0x0;
	[sflag:s7] =	ssyncadd.s32 $0xFFFFD880  }
.LBB2_2:
0x18: {  	p0 =	sne.s32 s14, $0x9C00  }
.Ltmp0:
0x19: {  	_ = 	snop;
	(pc) =	sbr.rel @p0 .LBB2_2-.Ltmp0, $3  }
0x1a: {  	_ =	sdelay $0x1  }
0x1b: {  	s15 =	sshra.s32 s14, $0x2  }
0x1c: {  	s14 =	sadd.s32 $0x40, s14;
	[tilespmem:s15+$0x7680] =	vst v0  }
0x1d: {  	s15 =	simm.s32 $0x0;
	s14 =	simm.s32 $0x40  }
.LBB2_4:
0x1e: {  	p0 =	sne.s32 s14, $0x9C00;
	v1 =	vld [tilespmem:s15+$0x2780];
	_ =	sdelay $0x5  }
0x1f: {  	v2 =	vld [tilespmem:s15+$0x4F00];
	_ =	sdelay $0x1  }
0x20: {  	v1 =	vld.idx.msk [tilespmem:v1+s3+$0x0], $0xffff;
	_ =	sdelay $0x1  }
.Ltmp1:
0x21: {  	(pc) =	sbr.rel @p0 .LBB2_4-.Ltmp1, $2  }
0x22: {  	_ =	sdelay $0x2  }
0x23: {  	s15 =	sshra.s32 s14, $0x2;
	s14 =	sadd.s32 $0x40, s14;
	[tilespmem:v2+s12+$0x0] =	vst.idx.add.f32.msk $0xffff, v1  }
0x24: {  	v1 =	vld [tilespmem:s15+$0x2780];
	_ =	sdelay $0x4  }
0x25: {  	v2 =	vld [tilespmem:s15+$0x4F00];
	_ =	sdelay $0x2  }
0x26: {  	v1 =	vld.idx.msk [tilespmem:v1+s3+$0x0], $0xffff;
	_ =	sdelay $0x2  }
0x27: {  	s13 =	sadd.s32 $0x1, s13  }
0x28: {  	p0 =	sne.s32 s13, s6  }
.Ltmp2:
0x29: {  	[tilespmem:v2+s12+$0x0] =	vst.idx.add.f32.msk $0xffff, v1;
	(pc) =	sbr.rel @p0 .LBB2_1-.Ltmp2, $4  }
0x2a: {  	[hbm4b:s5+s8] =	stream.strided.scatter [tilespmem:s12], [sflag:$0x1], $0x2780, s9, s8, $0x38;
	[tilespmem:$0x9E00] =	vst v63  }
0x2b: {  	_ =	swait.ge [sflag:s7], $0x2780  }
0x2c: {  	[sflag:s7] =	ssyncset.done $0x0  }
0x2d: {  	[sflag:s7] =	ssyncadd.s32 $0xFFFFD880  }
0x2e: {  	_ =	sfence.sel $0x180000  }
0x2f: {  	[bflag:$0x0] =	sbarrier.arrive $0xFFFF  }
0x30: {  	p0 =	sne.s32 s0, $0x0;
	_ =	strace $0x90000047  }
0x31: {  	s0 =	sadd.s32 @!p0 $0x100000, s2;
	[bflag:$0x2] =	sbarrier.arrive $0xFFFF  }
0x32: {  	[sflag:s0] =	ssyncadd.tile.s32 @!p0 $0x1;
	_ =	shalt  }
.Lfunc_end2:
_tile_overlayer_lowered:
.L_overlay_start_2:
0x33: {  	(tag) =	ssettag $0x2  }
0x34: {  	s0 =	rddreg [dreg:$0x0];
	s2 =	stileid.u32  }
0x35: {  	s1 =	rddreg [dreg:$0x1];
	p0 =	sne.s32 s2, $0x0  }
0x36: {  	s3 =	rddreg [dreg:$0x2];
	[bflag:$0x3] =	sbarrier.arrive $0xFFFF;
	s2 =	simm.s32 @!p0 $0x1C01  }
0x37: {  	[timem:s3], [sflag:s2] =	dma.local @!p0 [hbm:s0], s1  }
0x38: {  	s0 =	simm.s32 @!p0 $0x1  }
0x39: {  	_ =	swait.ge @!p0 [sflag:s0], s1  }
0x3a: {  	s1 =	ssub.s32 @!p0 $0x0, s1;
	[sflag:s0] =	ssyncset.done @!p0 $0x0  }
0x3b: {  	[sflag:s0] =	ssyncadd.s32 @!p0 s1  }
0x3c: {  	[bflag:$0x3] =	sbarrier.arrive $0xFFFF  }
0x3d: {  	_ =	shalt  }

</sc_bundles>
